<compile_context>
chip_gen: v7x
topology: tpu7x:2x2x1
jax: 0.10.2.dev20260603
libtpu: 0.0.44.dev20260713+nightly
codegen_flags: <defaults>
</compile_context>

<pallas_src>
import functools
import math

import jax
import jax.numpy as jnp
from jax import lax
from jax.experimental import pallas as pl
from jax.experimental.pallas import tpu as pltpu
from jax.experimental.pallas import tpu_sc as plsc

VOCAB_ROWS = 100000
EMB_DIM = 128
SCALE = math.sqrt(float(EMB_DIM))

NUM_CORES = 2
NUM_SUBCORES = 16
NW = NUM_CORES * NUM_SUBCORES

CHUNK = 64


def _make_gather(n_tokens):
    assert n_tokens % (NW * CHUNK) == 0
    bpw = n_tokens // NW
    n_chunks = bpw // CHUNK

    mesh = plsc.VectorSubcoreMesh(core_axis_name="c", subcore_axis_name="s")

    NBUF = 4
    n_quads = n_chunks // NBUF
    assert n_chunks % NBUF == 0 and n_quads >= 2

    @functools.partial(
        pl.kernel,
        mesh=mesh,
        out_type=jax.ShapeDtypeStruct((n_tokens, EMB_DIM), jnp.float32),
        scratch_types=[
            pltpu.VMEM((n_chunks, CHUNK), jnp.int32),
        ]
        + [pltpu.VMEM((CHUNK, EMB_DIM), jnp.float32) for _ in range(NBUF)]
        + [pltpu.SemaphoreType.DMA for _ in range(2 * NBUF)],
    )
    def gather_kernel(idx_hbm, table_hbm, out_hbm, idx_v, *rest):
        bufs = rest[:NBUF]
        sg = rest[NBUF : 2 * NBUF]
        so = rest[2 * NBUF : 3 * NBUF]
        wid = lax.axis_index("s") * NUM_CORES + lax.axis_index("c")
        base = wid * bpw
        pltpu.sync_copy(idx_hbm.at[wid], idx_v)

        def start_gather(g, j):
            pltpu.async_copy(table_hbm.at[idx_v.at[g]], bufs[j], sg[j])

        def wait_gather(g, j):
            pltpu.make_async_copy(table_hbm.at[idx_v.at[g]], bufs[j], sg[j]).wait()

        def scale_buf(j):
            buf = bufs[j]

            def rbody(r, carry):
                for c in range(EMB_DIM // 16):
                    sl = pl.ds(c * 16, 16)
                    buf[r, sl] = buf[r, sl] * SCALE
                return carry

            lax.fori_loop(0, CHUNK, rbody, 0)

        def start_out(g, j):
            pltpu.async_copy(bufs[j], out_hbm.at[pl.ds(base + g * CHUNK, CHUNK)], so[j])

        def wait_out(g, j):
            pltpu.make_async_copy(
                bufs[j], out_hbm.at[pl.ds(base + g * CHUNK, CHUNK)], so[j]
            ).wait()

        start_gather(0, 0)
        start_gather(1, 1)
        start_gather(2, 2)
        wait_gather(0, 0)
        scale_buf(0)
        start_out(0, 0)
        start_gather(3, 3)
        wait_gather(1, 1)
        scale_buf(1)
        start_out(1, 1)

        def body(q, carry):
            g0 = q * NBUF
            for j in range(NBUF):
                g = g0 + j
                wait_out(g - NBUF, j)
                start_gather(g, j)
                j2 = (j + 2) % NBUF
                wait_gather(g - 2, j2)
                scale_buf(j2)
                start_out(g - 2, j2)
            return carry

        lax.fori_loop(1, n_quads, body, 0)

        last = n_chunks - NBUF
        wait_gather(n_chunks - 2, 2)
        scale_buf(2)
        start_out(n_chunks - 2, 2)
        wait_gather(n_chunks - 1, 3)
        scale_buf(3)
        start_out(n_chunks - 1, 3)
        for j in range(NBUF):
            wait_out(last + j, j)

    return gather_kernel


def kernel(tokens, table):
    n_tokens = tokens.shape[0] * tokens.shape[1]
    idx = tokens.reshape(NW, n_tokens // (NW * CHUNK), CHUNK).astype(jnp.int32)
    out = _make_gather(n_tokens)(idx, table)
    return out.reshape(tokens.shape[0], tokens.shape[1], EMB_DIM)

# --- scband reference (transcript-rebuilt; emitter-appended) ---
"""Pipeline reference for scband-token-embedding-13443247636567 (READ-ONLY COPY).

The authoritative reference and input builder live on the scoring server;
editing this copy changes nothing except your own understanding.
"""

import jax, jax.numpy as jnp
import numpy as np
import math

VOCAB = 100000
EMB = 128

def setup_inputs(seed: int = 0) -> dict:
    key = jax.random.key(seed)
    k1, k2 = jax.random.split(key)
    tokens = jax.random.randint(k1, (4096, 200), 0, VOCAB, dtype=jnp.int64 if jax.config.jax_enable_x64 else jnp.int32)
    table = jax.random.normal(k2, (VOCAB, EMB), dtype=jnp.float32)
    return {"tokens": tokens, "table": table}

def reference(tokens, table):
    emb = jnp.take(table, tokens, axis=0)
    return emb * math.sqrt(EMB)

if __name__ == "__main__":
    import jax
    _d = setup_inputs()
    print(jax.jit(kernel)(*tuple(_d.values())))

</pallas_src>

<mosaic_0001>
#map = affine_map<(d0, d1) -> (0, 0, 0)>
#map1 = affine_map<(d0, d1) -> (0, 0)>
module attributes {stable_mosaic.version = 14 : i64} {
  func.func @gather_kernel(%arg0: i32, %arg1: i32, %arg2: memref<32x400x64xi32, #tpu.memory_space<hbm>>, %arg3: memref<100000x128xf32, #tpu.memory_space<hbm>>, %arg4: memref<819200x128xf32, #tpu.memory_space<hbm>>, %arg5: memref<400x64xi32, #tpu.memory_space<vmem>>, %arg6: memref<64x128xf32, #tpu.memory_space<vmem>>, %arg7: memref<64x128xf32, #tpu.memory_space<vmem>>, %arg8: memref<64x128xf32, #tpu.memory_space<vmem>>, %arg9: memref<64x128xf32, #tpu.memory_space<vmem>>, %arg10: memref<!tpu.dma_semaphore, #tpu.memory_space<semaphore_mem>>, %arg11: memref<!tpu.dma_semaphore, #tpu.memory_space<semaphore_mem>>, %arg12: memref<!tpu.dma_semaphore, #tpu.memory_space<semaphore_mem>>, %arg13: memref<!tpu.dma_semaphore, #tpu.memory_space<semaphore_mem>>, %arg14: memref<!tpu.dma_semaphore, #tpu.memory_space<semaphore_mem>>, %arg15: memref<!tpu.dma_semaphore, #tpu.memory_space<semaphore_mem>>, %arg16: memref<!tpu.dma_semaphore, #tpu.memory_space<semaphore_mem>>, %arg17: memref<!tpu.dma_semaphore, #tpu.memory_space<semaphore_mem>>) attributes {dimension_semantics = [#tpu.dimension_semantics<core_parallel>, #tpu.dimension_semantics<subcore_parallel>], iteration_bounds = array<i64: 2, 16>, scalar_prefetch = 0 : i64, scratch_operands = 13 : i64, tpu.core_type = #tpu.core_type<sc_vector_subcore>, window_params = [{transform_indices = #map}, {transform_indices = #map1}, {transform_indices = #map1}]} {
    %mul3A = arith.constant 2 : i32
    %mul3A_0 = arith.muli %arg1, %mul3A : i32
    %add3A = arith.addi %mul3A_0, %arg0 : i32
    %mul3A_1 = arith.constant 25600 : i32
    %mul3A_2 = arith.muli %add3A, %mul3A_1 : i32
    "tpu.region"() ({
      %run_scoped3A = tpu.sem_alloc : memref<!tpu.dma_semaphore, #tpu.memory_space<semaphore_mem>>
      %dma_start3A_134 = arith.constant 0 : i32
      %dma_start3A_135 = arith.constant 0 : i32
      %dma_start3A_136 = tpu.memref_slice %arg2[%add3A, %dma_start3A_134, %dma_start3A_135] : memref<32x400x64xi32, #tpu.memory_space<hbm>> -> memref<1x400x64xi32, #tpu.memory_space<hbm>>
      %dma_start3A_137 = tpu.memref_squeeze %dma_start3A_136 : memref<1x400x64xi32, #tpu.memory_space<hbm>> -> memref<400x64xi32, #tpu.memory_space<hbm>>
      %dma_start3A_138 = arith.constant 0 : i32
      %dma_start3A_139 = arith.constant 0 : i32
      %dma_start3A_140 = tpu.memref_slice %arg2[%add3A, %dma_start3A_138, %dma_start3A_139] : memref<32x400x64xi32, #tpu.memory_space<hbm>> -> memref<1x400x64xi32, #tpu.memory_space<hbm>>
      %dma_start3A_141 = tpu.memref_squeeze %dma_start3A_140 : memref<1x400x64xi32, #tpu.memory_space<hbm>> -> memref<400x64xi32, #tpu.memory_space<hbm>>
      tpu.enqueue_dma source(%dma_start3A_141 : memref<400x64xi32, #tpu.memory_space<hbm>>) target(%arg5 : memref<400x64xi32, #tpu.memory_space<vmem>>) target_semaphore(%run_scoped3A : memref<!tpu.dma_semaphore, #tpu.memory_space<semaphore_mem>>)
      %dma_wait3A_142 = arith.constant 0 : i32
      %dma_wait3A_143 = arith.constant 0 : i32
      %dma_wait3A_144 = tpu.memref_slice %arg2[%add3A, %dma_wait3A_142, %dma_wait3A_143] : memref<32x400x64xi32, #tpu.memory_space<hbm>> -> memref<1x400x64xi32, #tpu.memory_space<hbm>>
      %dma_wait3A_145 = tpu.memref_squeeze %dma_wait3A_144 : memref<1x400x64xi32, #tpu.memory_space<hbm>> -> memref<400x64xi32, #tpu.memory_space<hbm>>
      %dma_wait3A_146 = arith.constant 0 : i32
      %dma_wait3A_147 = arith.constant 0 : i32
      %dma_wait3A_148 = tpu.memref_slice %arg2[%add3A, %dma_wait3A_146, %dma_wait3A_147] : memref<32x400x64xi32, #tpu.memory_space<hbm>> -> memref<1x400x64xi32, #tpu.memory_space<hbm>>
      %dma_wait3A_149 = tpu.memref_squeeze %dma_wait3A_148 : memref<1x400x64xi32, #tpu.memory_space<hbm>> -> memref<400x64xi32, #tpu.memory_space<hbm>>
      tpu.wait_dma2 semaphore(%run_scoped3A : memref<!tpu.dma_semaphore, #tpu.memory_space<semaphore_mem>>) src(%dma_wait3A_149 : memref<400x64xi32, #tpu.memory_space<hbm>>) dst(%arg5 : memref<400x64xi32, #tpu.memory_space<vmem>>)
      tpu.yield
    }) : () -> ()
    %dma_start3A = arith.constant 0 : i32
    %dma_start3A_3 = arith.constant 0 : i32
    %dma_start3A_4 = tpu.memref_slice %arg5[%dma_start3A, %dma_start3A_3] : memref<400x64xi32, #tpu.memory_space<vmem>> -> memref<1x64xi32, #tpu.memory_space<vmem>>
    %dma_start3A_5 = tpu.memref_squeeze %dma_start3A_4 : memref<1x64xi32, #tpu.memory_space<vmem>> -> memref<64xi32, #tpu.memory_space<vmem>>
    %dma_start3A_6 = arith.constant 0 : i32
    %dma_start3A_7 = arith.constant 0 : i32
    %dma_start3A_8 = tpu.memref_slice %arg3[%dma_start3A_6, %dma_start3A_7] : memref<100000x128xf32, #tpu.memory_space<hbm>> -> memref<100000x128xf32, #tpu.memory_space<hbm>>
    tpu.enqueue_indirect_dma source(%dma_start3A_8 : memref<100000x128xf32, #tpu.memory_space<hbm>>) target(%arg6 : memref<64x128xf32, #tpu.memory_space<vmem>>) offsets(%dma_start3A_5 : memref<64xi32, #tpu.memory_space<vmem>>) semaphore(%arg10 : memref<!tpu.dma_semaphore, #tpu.memory_space<semaphore_mem>>)
    %dma_start3A_9 = arith.constant 1 : i32
    %dma_start3A_10 = arith.constant 0 : i32
    %dma_start3A_11 = tpu.memref_slice %arg5[%dma_start3A_9, %dma_start3A_10] : memref<400x64xi32, #tpu.memory_space<vmem>> -> memref<1x64xi32, #tpu.memory_space<vmem>>
    %dma_start3A_12 = tpu.memref_squeeze %dma_start3A_11 : memref<1x64xi32, #tpu.memory_space<vmem>> -> memref<64xi32, #tpu.memory_space<vmem>>
    %dma_start3A_13 = arith.constant 0 : i32
    %dma_start3A_14 = arith.constant 0 : i32
    %dma_start3A_15 = tpu.memref_slice %arg3[%dma_start3A_13, %dma_start3A_14] : memref<100000x128xf32, #tpu.memory_space<hbm>> -> memref<100000x128xf32, #tpu.memory_space<hbm>>
    tpu.enqueue_indirect_dma source(%dma_start3A_15 : memref<100000x128xf32, #tpu.memory_space<hbm>>) target(%arg7 : memref<64x128xf32, #tpu.memory_space<vmem>>) offsets(%dma_start3A_12 : memref<64xi32, #tpu.memory_space<vmem>>) semaphore(%arg11 : memref<!tpu.dma_semaphore, #tpu.memory_space<semaphore_mem>>)
    %dma_start3A_16 = arith.constant 2 : i32
    %dma_start3A_17 = arith.constant 0 : i32
    %dma_start3A_18 = tpu.memref_slice %arg5[%dma_start3A_16, %dma_start3A_17] : memref<400x64xi32, #tpu.memory_space<vmem>> -> memref<1x64xi32, #tpu.memory_space<vmem>>
    %dma_start3A_19 = tpu.memref_squeeze %dma_start3A_18 : memref<1x64xi32, #tpu.memory_space<vmem>> -> memref<64xi32, #tpu.memory_space<vmem>>
    %dma_start3A_20 = arith.constant 0 : i32
    %dma_start3A_21 = arith.constant 0 : i32
    %dma_start3A_22 = tpu.memref_slice %arg3[%dma_start3A_20, %dma_start3A_21] : memref<100000x128xf32, #tpu.memory_space<hbm>> -> memref<100000x128xf32, #tpu.memory_space<hbm>>
    tpu.enqueue_indirect_dma source(%dma_start3A_22 : memref<100000x128xf32, #tpu.memory_space<hbm>>) target(%arg8 : memref<64x128xf32, #tpu.memory_space<vmem>>) offsets(%dma_start3A_19 : memref<64xi32, #tpu.memory_space<vmem>>) semaphore(%arg12 : memref<!tpu.dma_semaphore, #tpu.memory_space<semaphore_mem>>)
    %dma_wait3A = arith.constant 0 : i32
    %dma_wait3A_23 = arith.constant 0 : i32
    %dma_wait3A_24 = tpu.memref_slice %arg5[%dma_wait3A, %dma_wait3A_23] : memref<400x64xi32, #tpu.memory_space<vmem>> -> memref<1x64xi32, #tpu.memory_space<vmem>>
    %dma_wait3A_25 = tpu.memref_squeeze %dma_wait3A_24 : memref<1x64xi32, #tpu.memory_space<vmem>> -> memref<64xi32, #tpu.memory_space<vmem>>
    %dma_wait3A_26 = arith.constant 0 : i32
    %dma_wait3A_27 = arith.constant 0 : i32
    %dma_wait3A_28 = tpu.memref_slice %arg3[%dma_wait3A_26, %dma_wait3A_27] : memref<100000x128xf32, #tpu.memory_space<hbm>> -> memref<100000x128xf32, #tpu.memory_space<hbm>>
    tpu.wait_indirect_dma semaphore(%arg10 : memref<!tpu.dma_semaphore, #tpu.memory_space<semaphore_mem>>) src(%dma_wait3A_28 : memref<100000x128xf32, #tpu.memory_space<hbm>>) dst(%arg6 : memref<64x128xf32, #tpu.memory_space<vmem>>)
    %scan3A = arith.constant 0 : i32
    %scan3A_29 = arith.constant 0 : i32
    %scan3A_30 = arith.constant 64 : i32
    %scan3A_31 = arith.addi %scan3A_29, %scan3A_30 : i32
    %scan3A_32 = arith.constant 1 : i32
    scf.for %scan3A_134 = %scan3A_29 to %scan3A_31 step %scan3A_32  : i32 {
      %get3A = arith.index_cast %scan3A_134 : i32 to index
      %get3A_135 = arith.constant 0 : index
      %get3A_136 = tpu.vector_load %arg6[%get3A, %get3A_135] {strides = array<i32>} : memref<64x128xf32, #tpu.memory_space<vmem>>, vector<1x16xf32>,
      %get3A_137 = vector.shape_cast %get3A_136 : vector<1x16xf32> to vector<16xf32>
      %mul3A_138 = arith.constant 11.3137083 : f32
      %mul3A_139 = vector.broadcast %mul3A_138 : f32 to vector<16xf32>
      %mul3A_140 = arith.mulf %get3A_137, %mul3A_139 : vector<16xf32>
      %swap3A = arith.index_cast %scan3A_134 : i32 to index
      %swap3A_141 = arith.constant 0 : index
      %swap3A_142 = tpu.vector_load %arg6[%swap3A, %swap3A_141] {strides = array<i32>} : memref<64x128xf32, #tpu.memory_space<vmem>>, vector<1x16xf32>,
      %swap3A_143 = vector.shape_cast %swap3A_142 : vector<1x16xf32> to vector<16xf32>
      %swap3A_144 = vector.shape_cast %mul3A_140 : vector<16xf32> to vector<1x16xf32>
      tpu.vector_store %arg6[%swap3A, %swap3A_141], %swap3A_144 {strides = array<i32>} : memref<64x128xf32, #tpu.memory_space<vmem>>, vector<1x16xf32>,
      %get3A_145 = arith.index_cast %scan3A_134 : i32 to index
      %get3A_146 = arith.constant 16 : index
      %get3A_147 = tpu.vector_load %arg6[%get3A_145, %get3A_146] {strides = array<i32>} : memref<64x128xf32, #tpu.memory_space<vmem>>, vector<1x16xf32>,
      %get3A_148 = vector.shape_cast %get3A_147 : vector<1x16xf32> to vector<16xf32>
      %mul3A_149 = arith.constant 11.3137083 : f32
      %mul3A_150 = vector.broadcast %mul3A_149 : f32 to vector<16xf32>
      %mul3A_151 = arith.mulf %get3A_148, %mul3A_150 : vector<16xf32>
      %swap3A_152 = arith.index_cast %scan3A_134 : i32 to index
      %swap3A_153 = arith.constant 16 : index
      %swap3A_154 = tpu.vector_load %arg6[%swap3A_152, %swap3A_153] {strides = array<i32>} : memref<64x128xf32, #tpu.memory_space<vmem>>, vector<1x16xf32>,
      %swap3A_155 = vector.shape_cast %swap3A_154 : vector<1x16xf32> to vector<16xf32>
      %swap3A_156 = vector.shape_cast %mul3A_151 : vector<16xf32> to vector<1x16xf32>
      tpu.vector_store %arg6[%swap3A_152, %swap3A_153], %swap3A_156 {strides = array<i32>} : memref<64x128xf32, #tpu.memory_space<vmem>>, vector<1x16xf32>,
      %get3A_157 = arith.index_cast %scan3A_134 : i32 to index
      %get3A_158 = arith.constant 32 : index
      %get3A_159 = tpu.vector_load %arg6[%get3A_157, %get3A_158] {strides = array<i32>} : memref<64x128xf32, #tpu.memory_space<vmem>>, vector<1x16xf32>,
      %get3A_160 = vector.shape_cast %get3A_159 : vector<1x16xf32> to vector<16xf32>
      %mul3A_161 = arith.constant 11.3137083 : f32
      %mul3A_162 = vector.broadcast %mul3A_161 : f32 to vector<16xf32>
      %mul3A_163 = arith.mulf %get3A_160, %mul3A_162 : vector<16xf32>
      %swap3A_164 = arith.index_cast %scan3A_134 : i32 to index
      %swap3A_165 = arith.constant 32 : index
      %swap3A_166 = tpu.vector_load %arg6[%swap3A_164, %swap3A_165] {strides = array<i32>} : memref<64x128xf32, #tpu.memory_space<vmem>>, vector<1x16xf32>,
      %swap3A_167 = vector.shape_cast %swap3A_166 : vector<1x16xf32> to vector<16xf32>
      %swap3A_168 = vector.shape_cast %mul3A_163 : vector<16xf32> to vector<1x16xf32>
      tpu.vector_store %arg6[%swap3A_164, %swap3A_165], %swap3A_168 {strides = array<i32>} : memref<64x128xf32, #tpu.memory_space<vmem>>, vector<1x16xf32>,
      %get3A_169 = arith.index_cast %scan3A_134 : i32 to index
      %get3A_170 = arith.constant 48 : index
      %get3A_171 = tpu.vector_load %arg6[%get3A_169, %get3A_170] {strides = array<i32>} : memref<64x128xf32, #tpu.memory_space<vmem>>, vector<1x16xf32>,
      %get3A_172 = vector.shape_cast %get3A_171 : vector<1x16xf32> to vector<16xf32>
      %mul3A_173 = arith.constant 11.3137083 : f32
      %mul3A_174 = vector.broadcast %mul3A_173 : f32 to vector<16xf32>
      %mul3A_175 = arith.mulf %get3A_172, %mul3A_174 : vector<16xf32>
      %swap3A_176 = arith.index_cast %scan3A_134 : i32 to index
      %swap3A_177 = arith.constant 48 : index
      %swap3A_178 = tpu.vector_load %arg6[%swap3A_176, %swap3A_177] {strides = array<i32>} : memref<64x128xf32, #tpu.memory_space<vmem>>, vector<1x16xf32>,
      %swap3A_179 = vector.shape_cast %swap3A_178 : vector<1x16xf32> to vector<16xf32>
      %swap3A_180 = vector.shape_cast %mul3A_175 : vector<16xf32> to vector<1x16xf32>
      tpu.vector_store %arg6[%swap3A_176, %swap3A_177], %swap3A_180 {strides = array<i32>} : memref<64x128xf32, #tpu.memory_space<vmem>>, vector<1x16xf32>,
      %get3A_181 = arith.index_cast %scan3A_134 : i32 to index
      %get3A_182 = arith.constant 64 : index
      %get3A_183 = tpu.vector_load %arg6[%get3A_181, %get3A_182] {strides = array<i32>} : memref<64x128xf32, #tpu.memory_space<vmem>>, vector<1x16xf32>,
      %get3A_184 = vector.shape_cast %get3A_183 : vector<1x16xf32> to vector<16xf32>
      %mul3A_185 = arith.constant 11.3137083 : f32
      %mul3A_186 = vector.broadcast %mul3A_185 : f32 to vector<16xf32>
      %mul3A_187 = arith.mulf %get3A_184, %mul3A_186 : vector<16xf32>
      %swap3A_188 = arith.index_cast %scan3A_134 : i32 to index
      %swap3A_189 = arith.constant 64 : index
      %swap3A_190 = tpu.vector_load %arg6[%swap3A_188, %swap3A_189] {strides = array<i32>} : memref<64x128xf32, #tpu.memory_space<vmem>>, vector<1x16xf32>,
      %swap3A_191 = vector.shape_cast %swap3A_190 : vector<1x16xf32> to vector<16xf32>
      %swap3A_192 = vector.shape_cast %mul3A_187 : vector<16xf32> to vector<1x16xf32>
      tpu.vector_store %arg6[%swap3A_188, %swap3A_189], %swap3A_192 {strides = array<i32>} : memref<64x128xf32, #tpu.memory_space<vmem>>, vector<1x16xf32>,
      %get3A_193 = arith.index_cast %scan3A_134 : i32 to index
      %get3A_194 = arith.constant 80 : index
      %get3A_195 = tpu.vector_load %arg6[%get3A_193, %get3A_194] {strides = array<i32>} : memref<64x128xf32, #tpu.memory_space<vmem>>, vector<1x16xf32>,
      %get3A_196 = vector.shape_cast %get3A_195 : vector<1x16xf32> to vector<16xf32>
      %mul3A_197 = arith.constant 11.3137083 : f32
      %mul3A_198 = vector.broadcast %mul3A_197 : f32 to vector<16xf32>
      %mul3A_199 = arith.mulf %get3A_196, %mul3A_198 : vector<16xf32>
      %swap3A_200 = arith.index_cast %scan3A_134 : i32 to index
      %swap3A_201 = arith.constant 80 : index
      %swap3A_202 = tpu.vector_load %arg6[%swap3A_200, %swap3A_201] {strides = array<i32>} : memref<64x128xf32, #tpu.memory_space<vmem>>, vector<1x16xf32>,
      %swap3A_203 = vector.shape_cast %swap3A_202 : vector<1x16xf32> to vector<16xf32>
      %swap3A_204 = vector.shape_cast %mul3A_199 : vector<16xf32> to vector<1x16xf32>
      tpu.vector_store %arg6[%swap3A_200, %swap3A_201], %swap3A_204 {strides = array<i32>} : memref<64x128xf32, #tpu.memory_space<vmem>>, vector<1x16xf32>,
      %get3A_205 = arith.index_cast %scan3A_134 : i32 to index
      %get3A_206 = arith.constant 96 : index
      %get3A_207 = tpu.vector_load %arg6[%get3A_205, %get3A_206] {strides = array<i32>} : memref<64x128xf32, #tpu.memory_space<vmem>>, vector<1x16xf32>,
      %get3A_208 = vector.shape_cast %get3A_207 : vector<1x16xf32> to vector<16xf32>
      %mul3A_209 = arith.constant 11.3137083 : f32
      %mul3A_210 = vector.broadcast %mul3A_209 : f32 to vector<16xf32>
      %mul3A_211 = arith.mulf %get3A_208, %mul3A_210 : vector<16xf32>
      %swap3A_212 = arith.index_cast %scan3A_134 : i32 to index
      %swap3A_213 = arith.constant 96 : index
      %swap3A_214 = tpu.vector_load %arg6[%swap3A_212, %swap3A_213] {strides = array<i32>} : memref<64x128xf32, #tpu.memory_space<vmem>>, vector<1x16xf32>,
      %swap3A_215 = vector.shape_cast %swap3A_214 : vector<1x16xf32> to vector<16xf32>
      %swap3A_216 = vector.shape_cast %mul3A_211 : vector<16xf32> to vector<1x16xf32>
      tpu.vector_store %arg6[%swap3A_212, %swap3A_213], %swap3A_216 {strides = array<i32>} : memref<64x128xf32, #tpu.memory_space<vmem>>, vector<1x16xf32>,
      %get3A_217 = arith.index_cast %scan3A_134 : i32 to index
      %get3A_218 = arith.constant 112 : index
      %get3A_219 = tpu.vector_load %arg6[%get3A_217, %get3A_218] {strides = array<i32>} : memref<64x128xf32, #tpu.memory_space<vmem>>, vector<1x16xf32>,
      %get3A_220 = vector.shape_cast %get3A_219 : vector<1x16xf32> to vector<16xf32>
      %mul3A_221 = arith.constant 11.3137083 : f32
      %mul3A_222 = vector.broadcast %mul3A_221 : f32 to vector<16xf32>
      %mul3A_223 = arith.mulf %get3A_220, %mul3A_222 : vector<16xf32>
      %swap3A_224 = arith.index_cast %scan3A_134 : i32 to index
      %swap3A_225 = arith.constant 112 : index
      %swap3A_226 = tpu.vector_load %arg6[%swap3A_224, %swap3A_225] {strides = array<i32>} : memref<64x128xf32, #tpu.memory_space<vmem>>, vector<1x16xf32>,
      %swap3A_227 = vector.shape_cast %swap3A_226 : vector<1x16xf32> to vector<16xf32>
      %swap3A_228 = vector.shape_cast %mul3A_223 : vector<16xf32> to vector<1x16xf32>
      tpu.vector_store %arg6[%swap3A_224, %swap3A_225], %swap3A_228 {strides = array<i32>} : memref<64x128xf32, #tpu.memory_space<vmem>>, vector<1x16xf32>,
    }
    %scan3A_33 = arith.constant 64 : i32
    %add3A_34 = arith.constant 0 : i32
    %add3A_35 = arith.addi %mul3A_2, %add3A_34 : i32
    %dma_start3A_36 = arith.constant 0 : i32
    %dma_start3A_37 = tpu.memref_slice %arg4[%add3A_35, %dma_start3A_36] : memref<819200x128xf32, #tpu.memory_space<hbm>> -> memref<64x128xf32, #tpu.memory_space<hbm>>
    %dma_start3A_38 = arith.constant 0 : i32
    %dma_start3A_39 = tpu.memref_slice %arg4[%add3A_35, %dma_start3A_38] : memref<819200x128xf32, #tpu.memory_space<hbm>> -> memref<64x128xf32, #tpu.memory_space<hbm>>
    tpu.enqueue_dma source(%arg6 : memref<64x128xf32, #tpu.memory_space<vmem>>) target(%dma_start3A_39 : memref<64x128xf32, #tpu.memory_space<hbm>>) target_semaphore(%arg14 : memref<!tpu.dma_semaphore, #tpu.memory_space<semaphore_mem>>)
    %dma_start3A_40 = arith.constant 3 : i32
    %dma_start3A_41 = arith.constant 0 : i32
    %dma_start3A_42 = tpu.memref_slice %arg5[%dma_start3A_40, %dma_start3A_41] : memref<400x64xi32, #tpu.memory_space<vmem>> -> memref<1x64xi32, #tpu.memory_space<vmem>>
    %dma_start3A_43 = tpu.memref_squeeze %dma_start3A_42 : memref<1x64xi32, #tpu.memory_space<vmem>> -> memref<64xi32, #tpu.memory_space<vmem>>
    %dma_start3A_44 = arith.constant 0 : i32
    %dma_start3A_45 = arith.constant 0 : i32
    %dma_start3A_46 = tpu.memref_slice %arg3[%dma_start3A_44, %dma_start3A_45] : memref<100000x128xf32, #tpu.memory_space<hbm>> -> memref<100000x128xf32, #tpu.memory_space<hbm>>
    tpu.enqueue_indirect_dma source(%dma_start3A_46 : memref<100000x128xf32, #tpu.memory_space<hbm>>) target(%arg9 : memref<64x128xf32, #tpu.memory_space<vmem>>) offsets(%dma_start3A_43 : memref<64xi32, #tpu.memory_space<vmem>>) semaphore(%arg13 : memref<!tpu.dma_semaphore, #tpu.memory_space<semaphore_mem>>)
    %dma_wait3A_47 = arith.constant 1 : i32
    %dma_wait3A_48 = arith.constant 0 : i32
    %dma_wait3A_49 = tpu.memref_slice %arg5[%dma_wait3A_47, %dma_wait3A_48] : memref<400x64xi32, #tpu.memory_space<vmem>> -> memref<1x64xi32, #tpu.memory_space<vmem>>
    %dma_wait3A_50 = tpu.memref_squeeze %dma_wait3A_49 : memref<1x64xi32, #tpu.memory_space<vmem>> -> memref<64xi32, #tpu.memory_space<vmem>>
    %dma_wait3A_51 = arith.constant 0 : i32
    %dma_wait3A_52 = arith.constant 0 : i32
    %dma_wait3A_53 = tpu.memref_slice %arg3[%dma_wait3A_51, %dma_wait3A_52] : memref<100000x128xf32, #tpu.memory_space<hbm>> -> memref<100000x128xf32, #tpu.memory_space<hbm>>
    tpu.wait_indirect_dma semaphore(%arg11 : memref<!tpu.dma_semaphore, #tpu.memory_space<semaphore_mem>>) src(%dma_wait3A_53 : memref<100000x128xf32, #tpu.memory_space<hbm>>) dst(%arg7 : memref<64x128xf32, #tpu.memory_space<vmem>>)
    %scan3A_54 = arith.constant 0 : i32
    %scan3A_55 = arith.constant 0 : i32
    %scan3A_56 = arith.constant 64 : i32
    %scan3A_57 = arith.addi %scan3A_55, %scan3A_56 : i32
    %scan3A_58 = arith.constant 1 : i32
    scf.for %scan3A_134 = %scan3A_55 to %scan3A_57 step %scan3A_58  : i32 {
      %get3A = arith.index_cast %scan3A_134 : i32 to index
      %get3A_135 = arith.constant 0 : index
      %get3A_136 = tpu.vector_load %arg7[%get3A, %get3A_135] {strides = array<i32>} : memref<64x128xf32, #tpu.memory_space<vmem>>, vector<1x16xf32>,
      %get3A_137 = vector.shape_cast %get3A_136 : vector<1x16xf32> to vector<16xf32>
      %mul3A_138 = arith.constant 11.3137083 : f32
      %mul3A_139 = vector.broadcast %mul3A_138 : f32 to vector<16xf32>
      %mul3A_140 = arith.mulf %get3A_137, %mul3A_139 : vector<16xf32>
      %swap3A = arith.index_cast %scan3A_134 : i32 to index
      %swap3A_141 = arith.constant 0 : index
      %swap3A_142 = tpu.vector_load %arg7[%swap3A, %swap3A_141] {strides = array<i32>} : memref<64x128xf32, #tpu.memory_space<vmem>>, vector<1x16xf32>,
      %swap3A_143 = vector.shape_cast %swap3A_142 : vector<1x16xf32> to vector<16xf32>
      %swap3A_144 = vector.shape_cast %mul3A_140 : vector<16xf32> to vector<1x16xf32>
      tpu.vector_store %arg7[%swap3A, %swap3A_141], %swap3A_144 {strides = array<i32>} : memref<64x128xf32, #tpu.memory_space<vmem>>, vector<1x16xf32>,
      %get3A_145 = arith.index_cast %scan3A_134 : i32 to index
      %get3A_146 = arith.constant 16 : index
      %get3A_147 = tpu.vector_load %arg7[%get3A_145, %get3A_146] {strides = array<i32>} : memref<64x128xf32, #tpu.memory_space<vmem>>, vector<1x16xf32>,
      %get3A_148 = vector.shape_cast %get3A_147 : vector<1x16xf32> to vector<16xf32>
      %mul3A_149 = arith.constant 11.3137083 : f32
      %mul3A_150 = vector.broadcast %mul3A_149 : f32 to vector<16xf32>
      %mul3A_151 = arith.mulf %get3A_148, %mul3A_150 : vector<16xf32>
      %swap3A_152 = arith.index_cast %scan3A_134 : i32 to index
      %swap3A_153 = arith.constant 16 : index
      %swap3A_154 = tpu.vector_load %arg7[%swap3A_152, %swap3A_153] {strides = array<i32>} : memref<64x128xf32, #tpu.memory_space<vmem>>, vector<1x16xf32>,
      %swap3A_155 = vector.shape_cast %swap3A_154 : vector<1x16xf32> to vector<16xf32>
      %swap3A_156 = vector.shape_cast %mul3A_151 : vector<16xf32> to vector<1x16xf32>
      tpu.vector_store %arg7[%swap3A_152, %swap3A_153], %swap3A_156 {strides = array<i32>} : memref<64x128xf32, #tpu.memory_space<vmem>>, vector<1x16xf32>,
      %get3A_157 = arith.index_cast %scan3A_134 : i32 to index
      %get3A_158 = arith.constant 32 : index
      %get3A_159 = tpu.vector_load %arg7[%get3A_157, %get3A_158] {strides = array<i32>} : memref<64x128xf32, #tpu.memory_space<vmem>>, vector<1x16xf32>,
      %get3A_160 = vector.shape_cast %get3A_159 : vector<1x16xf32> to vector<16xf32>
      %mul3A_161 = arith.constant 11.3137083 : f32
      %mul3A_162 = vector.broadcast %mul3A_161 : f32 to vector<16xf32>
      %mul3A_163 = arith.mulf %get3A_160, %mul3A_162 : vector<16xf32>
      %swap3A_164 = arith.index_cast %scan3A_134 : i32 to index
      %swap3A_165 = arith.constant 32 : index
      %swap3A_166 = tpu.vector_load %arg7[%swap3A_164, %swap3A_165] {strides = array<i32>} : memref<64x128xf32, #tpu.memory_space<vmem>>, vector<1x16xf32>,
      %swap3A_167 = vector.shape_cast %swap3A_166 : vector<1x16xf32> to vector<16xf32>
      %swap3A_168 = vector.shape_cast %mul3A_163 : vector<16xf32> to vector<1x16xf32>
      tpu.vector_store %arg7[%swap3A_164, %swap3A_165], %swap3A_168 {strides = array<i32>} : memref<64x128xf32, #tpu.memory_space<vmem>>, vector<1x16xf32>,
      %get3A_169 = arith.index_cast %scan3A_134 : i32 to index
      %get3A_170 = arith.constant 48 : index
      %get3A_171 = tpu.vector_load %arg7[%get3A_169, %get3A_170] {strides = array<i32>} : memref<64x128xf32, #tpu.memory_space<vmem>>, vector<1x16xf32>,
      %get3A_172 = vector.shape_cast %get3A_171 : vector<1x16xf32> to vector<16xf32>
      %mul3A_173 = arith.constant 11.3137083 : f32
      %mul3A_174 = vector.broadcast %mul3A_173 : f32 to vector<16xf32>
      %mul3A_175 = arith.mulf %get3A_172, %mul3A_174 : vector<16xf32>
      %swap3A_176 = arith.index_cast %scan3A_134 : i32 to index
      %swap3A_177 = arith.constant 48 : index
      %swap3A_178 = tpu.vector_load %arg7[%swap3A_176, %swap3A_177] {strides = array<i32>} : memref<64x128xf32, #tpu.memory_space<vmem>>, vector<1x16xf32>,
      %swap3A_179 = vector.shape_cast %swap3A_178 : vector<1x16xf32> to vector<16xf32>
      %swap3A_180 = vector.shape_cast %mul3A_175 : vector<16xf32> to vector<1x16xf32>
      tpu.vector_store %arg7[%swap3A_176, %swap3A_177], %swap3A_180 {strides = array<i32>} : memref<64x128xf32, #tpu.memory_space<vmem>>, vector<1x16xf32>,
      %get3A_181 = arith.index_cast %scan3A_134 : i32 to index
      %get3A_182 = arith.constant 64 : index
      %get3A_183 = tpu.vector_load %arg7[%get3A_181, %get3A_182] {strides = array<i32>} : memref<64x128xf32, #tpu.memory_space<vmem>>, vector<1x16xf32>,
      %get3A_184 = vector.shape_cast %get3A_183 : vector<1x16xf32> to vector<16xf32>
      %mul3A_185 = arith.constant 11.3137083 : f32
      %mul3A_186 = vector.broadcast %mul3A_185 : f32 to vector<16xf32>
      %mul3A_187 = arith.mulf %get3A_184, %mul3A_186 : vector<16xf32>
      %swap3A_188 = arith.index_cast %scan3A_134 : i32 to index
      %swap3A_189 = arith.constant 64 : index
      %swap3A_190 = tpu.vector_load %arg7[%swap3A_188, %swap3A_189] {strides = array<i32>} : memref<64x128xf32, #tpu.memory_space<vmem>>, vector<1x16xf32>,
      %swap3A_191 = vector.shape_cast %swap3A_190 : vector<1x16xf32> to vector<16xf32>
      %swap3A_192 = vector.shape_cast %mul3A_187 : vector<16xf32> to vector<1x16xf32>
      tpu.vector_store %arg7[%swap3A_188, %swap3A_189], %swap3A_192 {strides = array<i32>} : memref<64x128xf32, #tpu.memory_space<vmem>>, vector<1x16xf32>,
      %get3A_193 = arith.index_cast %scan3A_134 : i32 to index
      %get3A_194 = arith.constant 80 : index
      %get3A_195 = tpu.vector_load %arg7[%get3A_193, %get3A_194] {strides = array<i32>} : memref<64x128xf32, #tpu.memory_space<vmem>>, vector<1x16xf32>,
      %get3A_196 = vector.shape_cast %get3A_195 : vector<1x16xf32> to vector<16xf32>
      %mul3A_197 = arith.constant 11.3137083 : f32
      %mul3A_198 = vector.broadcast %mul3A_197 : f32 to vector<16xf32>
      %mul3A_199 = arith.mulf %get3A_196, %mul3A_198 : vector<16xf32>
      %swap3A_200 = arith.index_cast %scan3A_134 : i32 to index
      %swap3A_201 = arith.constant 80 : index
      %swap3A_202 = tpu.vector_load %arg7[%swap3A_200, %swap3A_201] {strides = array<i32>} : memref<64x128xf32, #tpu.memory_space<vmem>>, vector<1x16xf32>,
      %swap3A_203 = vector.shape_cast %swap3A_202 : vector<1x16xf32> to vector<16xf32>
      %swap3A_204 = vector.shape_cast %mul3A_199 : vector<16xf32> to vector<1x16xf32>
      tpu.vector_store %arg7[%swap3A_200, %swap3A_201], %swap3A_204 {strides = array<i32>} : memref<64x128xf32, #tpu.memory_space<vmem>>, vector<1x16xf32>,
      %get3A_205 = arith.index_cast %scan3A_134 : i32 to index
      %get3A_206 = arith.constant 96 : index
      %get3A_207 = tpu.vector_load %arg7[%get3A_205, %get3A_206] {strides = array<i32>} : memref<64x128xf32, #tpu.memory_space<vmem>>, vector<1x16xf32>,
      %get3A_208 = vector.shape_cast %get3A_207 : vector<1x16xf32> to vector<16xf32>
      %mul3A_209 = arith.constant 11.3137083 : f32
      %mul3A_210 = vector.broadcast %mul3A_209 : f32 to vector<16xf32>
      %mul3A_211 = arith.mulf %get3A_208, %mul3A_210 : vector<16xf32>
      %swap3A_212 = arith.index_cast %scan3A_134 : i32 to index
      %swap3A_213 = arith.constant 96 : index
      %swap3A_214 = tpu.vector_load %arg7[%swap3A_212, %swap3A_213] {strides = array<i32>} : memref<64x128xf32, #tpu.memory_space<vmem>>, vector<1x16xf32>,
      %swap3A_215 = vector.shape_cast %swap3A_214 : vector<1x16xf32> to vector<16xf32>
      %swap3A_216 = vector.shape_cast %mul3A_211 : vector<16xf32> to vector<1x16xf32>
      tpu.vector_store %arg7[%swap3A_212, %swap3A_213], %swap3A_216 {strides = array<i32>} : memref<64x128xf32, #tpu.memory_space<vmem>>, vector<1x16xf32>,
      %get3A_217 = arith.index_cast %scan3A_134 : i32 to index
      %get3A_218 = arith.constant 112 : index
      %get3A_219 = tpu.vector_load %arg7[%get3A_217, %get3A_218] {strides = array<i32>} : memref<64x128xf32, #tpu.memory_space<vmem>>, vector<1x16xf32>,
      %get3A_220 = vector.shape_cast %get3A_219 : vector<1x16xf32> to vector<16xf32>
      %mul3A_221 = arith.constant 11.3137083 : f32
      %mul3A_222 = vector.broadcast %mul3A_221 : f32 to vector<16xf32>
      %mul3A_223 = arith.mulf %get3A_220, %mul3A_222 : vector<16xf32>
      %swap3A_224 = arith.index_cast %scan3A_134 : i32 to index
      %swap3A_225 = arith.constant 112 : index
      %swap3A_226 = tpu.vector_load %arg7[%swap3A_224, %swap3A_225] {strides = array<i32>} : memref<64x128xf32, #tpu.memory_space<vmem>>, vector<1x16xf32>,
      %swap3A_227 = vector.shape_cast %swap3A_226 : vector<1x16xf32> to vector<16xf32>
      %swap3A_228 = vector.shape_cast %mul3A_223 : vector<16xf32> to vector<1x16xf32>
      tpu.vector_store %arg7[%swap3A_224, %swap3A_225], %swap3A_228 {strides = array<i32>} : memref<64x128xf32, #tpu.memory_space<vmem>>, vector<1x16xf32>,
    }
    %scan3A_59 = arith.constant 64 : i32
    %add3A_60 = arith.constant 64 : i32
    %add3A_61 = arith.addi %mul3A_2, %add3A_60 : i32
    %dma_start3A_62 = arith.constant 0 : i32
    %dma_start3A_63 = tpu.memref_slice %arg4[%add3A_61, %dma_start3A_62] : memref<819200x128xf32, #tpu.memory_space<hbm>> -> memref<64x128xf32, #tpu.memory_space<hbm>>
    %dma_start3A_64 = arith.constant 0 : i32
    %dma_start3A_65 = tpu.memref_slice %arg4[%add3A_61, %dma_start3A_64] : memref<819200x128xf32, #tpu.memory_space<hbm>> -> memref<64x128xf32, #tpu.memory_space<hbm>>
    tpu.enqueue_dma source(%arg7 : memref<64x128xf32, #tpu.memory_space<vmem>>) target(%dma_start3A_65 : memref<64x128xf32, #tpu.memory_space<hbm>>) target_semaphore(%arg15 : memref<!tpu.dma_semaphore, #tpu.memory_space<semaphore_mem>>)
    %scan3A_66 = arith.constant 0 : i32
    %scan3A_67 = arith.constant 1 : i32
    %scan3A_68 = arith.constant 99 : i32
    %scan3A_69 = arith.addi %scan3A_67, %scan3A_68 : i32
    %scan3A_70 = arith.constant 1 : i32
    scf.for %scan3A_134 = %scan3A_67 to %scan3A_69 step %scan3A_70  : i32 {
      %mul3A_135 = arith.constant 4 : i32
      %mul3A_136 = arith.muli %scan3A_134, %mul3A_135 : i32
      %add3A_137 = arith.constant 0 : i32
      %add3A_138 = arith.addi %mul3A_136, %add3A_137 : i32
      %sub3A = arith.constant 4 : i32
      %sub3A_139 = arith.subi %add3A_138, %sub3A : i32
      %mul3A_140 = arith.constant 64 : i32
      %mul3A_141 = arith.muli %sub3A_139, %mul3A_140 : i32
      %add3A_142 = arith.addi %mul3A_2, %mul3A_141 : i32
      %dma_wait3A_143 = arith.constant 0 : i32
      %dma_wait3A_144 = tpu.memref_slice %arg4[%add3A_142, %dma_wait3A_143] : memref<819200x128xf32, #tpu.memory_space<hbm>> -> memref<64x128xf32, #tpu.memory_space<hbm>>
      %dma_wait3A_145 = arith.constant 0 : i32
      %dma_wait3A_146 = tpu.memref_slice %arg4[%add3A_142, %dma_wait3A_145] : memref<819200x128xf32, #tpu.memory_space<hbm>> -> memref<64x128xf32, #tpu.memory_space<hbm>>
      tpu.wait_dma2 semaphore(%arg14 : memref<!tpu.dma_semaphore, #tpu.memory_space<semaphore_mem>>) src(%arg6 : memref<64x128xf32, #tpu.memory_space<vmem>>) dst(%dma_wait3A_146 : memref<64x128xf32, #tpu.memory_space<hbm>>)
      %dma_start3A_147 = arith.constant 0 : i32
      %dma_start3A_148 = tpu.memref_slice %arg5[%add3A_138, %dma_start3A_147] : memref<400x64xi32, #tpu.memory_space<vmem>> -> memref<1x64xi32, #tpu.memory_space<vmem>>
      %dma_start3A_149 = tpu.memref_squeeze %dma_start3A_148 : memref<1x64xi32, #tpu.memory_space<vmem>> -> memref<64xi32, #tpu.memory_space<vmem>>
      %dma_start3A_150 = arith.constant 0 : i32
      %dma_start3A_151 = arith.constant 0 : i32
      %dma_start3A_152 = tpu.memref_slice %arg3[%dma_start3A_150, %dma_start3A_151] : memref<100000x128xf32, #tpu.memory_space<hbm>> -> memref<100000x128xf32, #tpu.memory_space<hbm>>
      tpu.enqueue_indirect_dma source(%dma_start3A_152 : memref<100000x128xf32, #tpu.memory_space<hbm>>) target(%arg6 : memref<64x128xf32, #tpu.memory_space<vmem>>) offsets(%dma_start3A_149 : memref<64xi32, #tpu.memory_space<vmem>>) semaphore(%arg10 : memref<!tpu.dma_semaphore, #tpu.memory_space<semaphore_mem>>)
      %sub3A_153 = arith.constant 2 : i32
      %sub3A_154 = arith.subi %add3A_138, %sub3A_153 : i32
      %dma_wait3A_155 = arith.constant 0 : i32
      %dma_wait3A_156 = tpu.memref_slice %arg5[%sub3A_154, %dma_wait3A_155] : memref<400x64xi32, #tpu.memory_space<vmem>> -> memref<1x64xi32, #tpu.memory_space<vmem>>
      %dma_wait3A_157 = tpu.memref_squeeze %dma_wait3A_156 : memref<1x64xi32, #tpu.memory_space<vmem>> -> memref<64xi32, #tpu.memory_space<vmem>>
      %dma_wait3A_158 = arith.constant 0 : i32
      %dma_wait3A_159 = arith.constant 0 : i32
      %dma_wait3A_160 = tpu.memref_slice %arg3[%dma_wait3A_158, %dma_wait3A_159] : memref<100000x128xf32, #tpu.memory_space<hbm>> -> memref<100000x128xf32, #tpu.memory_space<hbm>>
      tpu.wait_indirect_dma semaphore(%arg12 : memref<!tpu.dma_semaphore, #tpu.memory_space<semaphore_mem>>) src(%dma_wait3A_160 : memref<100000x128xf32, #tpu.memory_space<hbm>>) dst(%arg8 : memref<64x128xf32, #tpu.memory_space<vmem>>)
      %scan3A_161 = arith.constant 0 : i32
      %scan3A_162 = arith.constant 0 : i32
      %scan3A_163 = arith.constant 64 : i32
      %scan3A_164 = arith.addi %scan3A_162, %scan3A_163 : i32
      %scan3A_165 = arith.constant 1 : i32
      scf.for %scan3A_296 = %scan3A_162 to %scan3A_164 step %scan3A_165  : i32 {
        %get3A = arith.index_cast %scan3A_296 : i32 to index
        %get3A_297 = arith.constant 0 : index
        %get3A_298 = tpu.vector_load %arg8[%get3A, %get3A_297] {strides = array<i32>} : memref<64x128xf32, #tpu.memory_space<vmem>>, vector<1x16xf32>,
        %get3A_299 = vector.shape_cast %get3A_298 : vector<1x16xf32> to vector<16xf32>
        %mul3A_300 = arith.constant 11.3137083 : f32
        %mul3A_301 = vector.broadcast %mul3A_300 : f32 to vector<16xf32>
        %mul3A_302 = arith.mulf %get3A_299, %mul3A_301 : vector<16xf32>
        %swap3A = arith.index_cast %scan3A_296 : i32 to index
        %swap3A_303 = arith.constant 0 : index
        %swap3A_304 = tpu.vector_load %arg8[%swap3A, %swap3A_303] {strides = array<i32>} : memref<64x128xf32, #tpu.memory_space<vmem>>, vector<1x16xf32>,
        %swap3A_305 = vector.shape_cast %swap3A_304 : vector<1x16xf32> to vector<16xf32>
        %swap3A_306 = vector.shape_cast %mul3A_302 : vector<16xf32> to vector<1x16xf32>
        tpu.vector_store %arg8[%swap3A, %swap3A_303], %swap3A_306 {strides = array<i32>} : memref<64x128xf32, #tpu.memory_space<vmem>>, vector<1x16xf32>,
        %get3A_307 = arith.index_cast %scan3A_296 : i32 to index
        %get3A_308 = arith.constant 16 : index
        %get3A_309 = tpu.vector_load %arg8[%get3A_307, %get3A_308] {strides = array<i32>} : memref<64x128xf32, #tpu.memory_space<vmem>>, vector<1x16xf32>,
        %get3A_310 = vector.shape_cast %get3A_309 : vector<1x16xf32> to vector<16xf32>
        %mul3A_311 = arith.constant 11.3137083 : f32
        %mul3A_312 = vector.broadcast %mul3A_311 : f32 to vector<16xf32>
        %mul3A_313 = arith.mulf %get3A_310, %mul3A_312 : vector<16xf32>
        %swap3A_314 = arith.index_cast %scan3A_296 : i32 to index
        %swap3A_315 = arith.constant 16 : index
        %swap3A_316 = tpu.vector_load %arg8[%swap3A_314, %swap3A_315] {strides = array<i32>} : memref<64x128xf32, #tpu.memory_space<vmem>>, vector<1x16xf32>,
        %swap3A_317 = vector.shape_cast %swap3A_316 : vector<1x16xf32> to vector<16xf32>
        %swap3A_318 = vector.shape_cast %mul3A_313 : vector<16xf32> to vector<1x16xf32>
        tpu.vector_store %arg8[%swap3A_314, %swap3A_315], %swap3A_318 {strides = array<i32>} : memref<64x128xf32, #tpu.memory_space<vmem>>, vector<1x16xf32>,
        %get3A_319 = arith.index_cast %scan3A_296 : i32 to index
        %get3A_320 = arith.constant 32 : index
        %get3A_321 = tpu.vector_load %arg8[%get3A_319, %get3A_320] {strides = array<i32>} : memref<64x128xf32, #tpu.memory_space<vmem>>, vector<1x16xf32>,
        %get3A_322 = vector.shape_cast %get3A_321 : vector<1x16xf32> to vector<16xf32>
        %mul3A_323 = arith.constant 11.3137083 : f32
        %mul3A_324 = vector.broadcast %mul3A_323 : f32 to vector<16xf32>
        %mul3A_325 = arith.mulf %get3A_322, %mul3A_324 : vector<16xf32>
        %swap3A_326 = arith.index_cast %scan3A_296 : i32 to index
        %swap3A_327 = arith.constant 32 : index
        %swap3A_328 = tpu.vector_load %arg8[%swap3A_326, %swap3A_327] {strides = array<i32>} : memref<64x128xf32, #tpu.memory_space<vmem>>, vector<1x16xf32>,
        %swap3A_329 = vector.shape_cast %swap3A_328 : vector<1x16xf32> to vector<16xf32>
        %swap3A_330 = vector.shape_cast %mul3A_325 : vector<16xf32> to vector<1x16xf32>
        tpu.vector_store %arg8[%swap3A_326, %swap3A_327], %swap3A_330 {strides = array<i32>} : memref<64x128xf32, #tpu.memory_space<vmem>>, vector<1x16xf32>,
        %get3A_331 = arith.index_cast %scan3A_296 : i32 to index
        %get3A_332 = arith.constant 48 : index
        %get3A_333 = tpu.vector_load %arg8[%get3A_331, %get3A_332] {strides = array<i32>} : memref<64x128xf32, #tpu.memory_space<vmem>>, vector<1x16xf32>,
        %get3A_334 = vector.shape_cast %get3A_333 : vector<1x16xf32> to vector<16xf32>
        %mul3A_335 = arith.constant 11.3137083 : f32
        %mul3A_336 = vector.broadcast %mul3A_335 : f32 to vector<16xf32>
        %mul3A_337 = arith.mulf %get3A_334, %mul3A_336 : vector<16xf32>
        %swap3A_338 = arith.index_cast %scan3A_296 : i32 to index
        %swap3A_339 = arith.constant 48 : index
        %swap3A_340 = tpu.vector_load %arg8[%swap3A_338, %swap3A_339] {strides = array<i32>} : memref<64x128xf32, #tpu.memory_space<vmem>>, vector<1x16xf32>,
        %swap3A_341 = vector.shape_cast %swap3A_340 : vector<1x16xf32> to vector<16xf32>
        %swap3A_342 = vector.shape_cast %mul3A_337 : vector<16xf32> to vector<1x16xf32>
        tpu.vector_store %arg8[%swap3A_338, %swap3A_339], %swap3A_342 {strides = array<i32>} : memref<64x128xf32, #tpu.memory_space<vmem>>, vector<1x16xf32>,
        %get3A_343 = arith.index_cast %scan3A_296 : i32 to index
        %get3A_344 = arith.constant 64 : index
        %get3A_345 = tpu.vector_load %arg8[%get3A_343, %get3A_344] {strides = array<i32>} : memref<64x128xf32, #tpu.memory_space<vmem>>, vector<1x16xf32>,
        %get3A_346 = vector.shape_cast %get3A_345 : vector<1x16xf32> to vector<16xf32>
        %mul3A_347 = arith.constant 11.3137083 : f32
        %mul3A_348 = vector.broadcast %mul3A_347 : f32 to vector<16xf32>
        %mul3A_349 = arith.mulf %get3A_346, %mul3A_348 : vector<16xf32>
        %swap3A_350 = arith.index_cast %scan3A_296 : i32 to index
        %swap3A_351 = arith.constant 64 : index
        %swap3A_352 = tpu.vector_load %arg8[%swap3A_350, %swap3A_351] {strides = array<i32>} : memref<64x128xf32, #tpu.memory_space<vmem>>, vector<1x16xf32>,
        %swap3A_353 = vector.shape_cast %swap3A_352 : vector<1x16xf32> to vector<16xf32>
        %swap3A_354 = vector.shape_cast %mul3A_349 : vector<16xf32> to vector<1x16xf32>
        tpu.vector_store %arg8[%swap3A_350, %swap3A_351], %swap3A_354 {strides = array<i32>} : memref<64x128xf32, #tpu.memory_space<vmem>>, vector<1x16xf32>,
        %get3A_355 = arith.index_cast %scan3A_296 : i32 to index
        %get3A_356 = arith.constant 80 : index
        %get3A_357 = tpu.vector_load %arg8[%get3A_355, %get3A_356] {strides = array<i32>} : memref<64x128xf32, #tpu.memory_space<vmem>>, vector<1x16xf32>,
        %get3A_358 = vector.shape_cast %get3A_357 : vector<1x16xf32> to vector<16xf32>
        %mul3A_359 = arith.constant 11.3137083 : f32
        %mul3A_360 = vector.broadcast %mul3A_359 : f32 to vector<16xf32>
        %mul3A_361 = arith.mulf %get3A_358, %mul3A_360 : vector<16xf32>
        %swap3A_362 = arith.index_cast %scan3A_296 : i32 to index
        %swap3A_363 = arith.constant 80 : index
        %swap3A_364 = tpu.vector_load %arg8[%swap3A_362, %swap3A_363] {strides = array<i32>} : memref<64x128xf32, #tpu.memory_space<vmem>>, vector<1x16xf32>,
        %swap3A_365 = vector.shape_cast %swap3A_364 : vector<1x16xf32> to vector<16xf32>
        %swap3A_366 = vector.shape_cast %mul3A_361 : vector<16xf32> to vector<1x16xf32>
        tpu.vector_store %arg8[%swap3A_362, %swap3A_363], %swap3A_366 {strides = array<i32>} : memref<64x128xf32, #tpu.memory_space<vmem>>, vector<1x16xf32>,
        %get3A_367 = arith.index_cast %scan3A_296 : i32 to index
        %get3A_368 = arith.constant 96 : index
        %get3A_369 = tpu.vector_load %arg8[%get3A_367, %get3A_368] {strides = array<i32>} : memref<64x128xf32, #tpu.memory_space<vmem>>, vector<1x16xf32>,
        %get3A_370 = vector.shape_cast %get3A_369 : vector<1x16xf32> to vector<16xf32>
        %mul3A_371 = arith.constant 11.3137083 : f32
        %mul3A_372 = vector.broadcast %mul3A_371 : f32 to vector<16xf32>
        %mul3A_373 = arith.mulf %get3A_370, %mul3A_372 : vector<16xf32>
        %swap3A_374 = arith.index_cast %scan3A_296 : i32 to index
        %swap3A_375 = arith.constant 96 : index
        %swap3A_376 = tpu.vector_load %arg8[%swap3A_374, %swap3A_375] {strides = array<i32>} : memref<64x128xf32, #tpu.memory_space<vmem>>, vector<1x16xf32>,
        %swap3A_377 = vector.shape_cast %swap3A_376 : vector<1x16xf32> to vector<16xf32>
        %swap3A_378 = vector.shape_cast %mul3A_373 : vector<16xf32> to vector<1x16xf32>
        tpu.vector_store %arg8[%swap3A_374, %swap3A_375], %swap3A_378 {strides = array<i32>} : memref<64x128xf32, #tpu.memory_space<vmem>>, vector<1x16xf32>,
        %get3A_379 = arith.index_cast %scan3A_296 : i32 to index
        %get3A_380 = arith.constant 112 : index
        %get3A_381 = tpu.vector_load %arg8[%get3A_379, %get3A_380] {strides = array<i32>} : memref<64x128xf32, #tpu.memory_space<vmem>>, vector<1x16xf32>,
        %get3A_382 = vector.shape_cast %get3A_381 : vector<1x16xf32> to vector<16xf32>
        %mul3A_383 = arith.constant 11.3137083 : f32
        %mul3A_384 = vector.broadcast %mul3A_383 : f32 to vector<16xf32>
        %mul3A_385 = arith.mulf %get3A_382, %mul3A_384 : vector<16xf32>
        %swap3A_386 = arith.index_cast %scan3A_296 : i32 to index
        %swap3A_387 = arith.constant 112 : index
        %swap3A_388 = tpu.vector_load %arg8[%swap3A_386, %swap3A_387] {strides = array<i32>} : memref<64x128xf32, #tpu.memory_space<vmem>>, vector<1x16xf32>,
        %swap3A_389 = vector.shape_cast %swap3A_388 : vector<1x16xf32> to vector<16xf32>
        %swap3A_390 = vector.shape_cast %mul3A_385 : vector<16xf32> to vector<1x16xf32>
        tpu.vector_store %arg8[%swap3A_386, %swap3A_387], %swap3A_390 {strides = array<i32>} : memref<64x128xf32, #tpu.memory_space<vmem>>, vector<1x16xf32>,
      }
      %scan3A_166 = arith.constant 64 : i32
      %sub3A_167 = arith.constant 2 : i32
      %sub3A_168 = arith.subi %add3A_138, %sub3A_167 : i32
      %mul3A_169 = arith.constant 64 : i32
      %mul3A_170 = arith.muli %sub3A_168, %mul3A_169 : i32
      %add3A_171 = arith.addi %mul3A_2, %mul3A_170 : i32
      %dma_start3A_172 = arith.constant 0 : i32
      %dma_start3A_173 = tpu.memref_slice %arg4[%add3A_171, %dma_start3A_172] : memref<819200x128xf32, #tpu.memory_space<hbm>> -> memref<64x128xf32, #tpu.memory_space<hbm>>
      %dma_start3A_174 = arith.constant 0 : i32
      %dma_start3A_175 = tpu.memref_slice %arg4[%add3A_171, %dma_start3A_174] : memref<819200x128xf32, #tpu.memory_space<hbm>> -> memref<64x128xf32, #tpu.memory_space<hbm>>
      tpu.enqueue_dma source(%arg8 : memref<64x128xf32, #tpu.memory_space<vmem>>) target(%dma_start3A_175 : memref<64x128xf32, #tpu.memory_space<hbm>>) target_semaphore(%arg16 : memref<!tpu.dma_semaphore, #tpu.memory_space<semaphore_mem>>)
      %add3A_176 = arith.constant 1 : i32
      %add3A_177 = arith.addi %mul3A_136, %add3A_176 : i32
      %sub3A_178 = arith.constant 4 : i32
      %sub3A_179 = arith.subi %add3A_177, %sub3A_178 : i32
      %mul3A_180 = arith.constant 64 : i32
      %mul3A_181 = arith.muli %sub3A_179, %mul3A_180 : i32
      %add3A_182 = arith.addi %mul3A_2, %mul3A_181 : i32
      %dma_wait3A_183 = arith.constant 0 : i32
      %dma_wait3A_184 = tpu.memref_slice %arg4[%add3A_182, %dma_wait3A_183] : memref<819200x128xf32, #tpu.memory_space<hbm>> -> memref<64x128xf32, #tpu.memory_space<hbm>>
      %dma_wait3A_185 = arith.constant 0 : i32
      %dma_wait3A_186 = tpu.memref_slice %arg4[%add3A_182, %dma_wait3A_185] : memref<819200x128xf32, #tpu.memory_space<hbm>> -> memref<64x128xf32, #tpu.memory_space<hbm>>
      tpu.wait_dma2 semaphore(%arg15 : memref<!tpu.dma_semaphore, #tpu.memory_space<semaphore_mem>>) src(%arg7 : memref<64x128xf32, #tpu.memory_space<vmem>>) dst(%dma_wait3A_186 : memref<64x128xf32, #tpu.memory_space<hbm>>)
      %dma_start3A_187 = arith.constant 0 : i32
      %dma_start3A_188 = tpu.memref_slice %arg5[%add3A_177, %dma_start3A_187] : memref<400x64xi32, #tpu.memory_space<vmem>> -> memref<1x64xi32, #tpu.memory_space<vmem>>
      %dma_start3A_189 = tpu.memref_squeeze %dma_start3A_188 : memref<1x64xi32, #tpu.memory_space<vmem>> -> memref<64xi32, #tpu.memory_space<vmem>>
      %dma_start3A_190 = arith.constant 0 : i32
      %dma_start3A_191 = arith.constant 0 : i32
      %dma_start3A_192 = tpu.memref_slice %arg3[%dma_start3A_190, %dma_start3A_191] : memref<100000x128xf32, #tpu.memory_space<hbm>> -> memref<100000x128xf32, #tpu.memory_space<hbm>>
      tpu.enqueue_indirect_dma source(%dma_start3A_192 : memref<100000x128xf32, #tpu.memory_space<hbm>>) target(%arg7 : memref<64x128xf32, #tpu.memory_space<vmem>>) offsets(%dma_start3A_189 : memref<64xi32, #tpu.memory_space<vmem>>) semaphore(%arg11 : memref<!tpu.dma_semaphore, #tpu.memory_space<semaphore_mem>>)
      %sub3A_193 = arith.constant 2 : i32
      %sub3A_194 = arith.subi %add3A_177, %sub3A_193 : i32
      %dma_wait3A_195 = arith.constant 0 : i32
      %dma_wait3A_196 = tpu.memref_slice %arg5[%sub3A_194, %dma_wait3A_195] : memref<400x64xi32, #tpu.memory_space<vmem>> -> memref<1x64xi32, #tpu.memory_space<vmem>>
      %dma_wait3A_197 = tpu.memref_squeeze %dma_wait3A_196 : memref<1x64xi32, #tpu.memory_space<vmem>> -> memref<64xi32, #tpu.memory_space<vmem>>
      %dma_wait3A_198 = arith.constant 0 : i32
      %dma_wait3A_199 = arith.constant 0 : i32
      %dma_wait3A_200 = tpu.memref_slice %arg3[%dma_wait3A_198, %dma_wait3A_199] : memref<100000x128xf32, #tpu.memory_space<hbm>> -> memref<100000x128xf32, #tpu.memory_space<hbm>>
      tpu.wait_indirect_dma semaphore(%arg13 : memref<!tpu.dma_semaphore, #tpu.memory_space<semaphore_mem>>) src(%dma_wait3A_200 : memref<100000x128xf32, #tpu.memory_space<hbm>>) dst(%arg9 : memref<64x128xf32, #tpu.memory_space<vmem>>)
      %scan3A_201 = arith.constant 0 : i32
      %scan3A_202 = arith.constant 0 : i32
      %scan3A_203 = arith.constant 64 : i32
      %scan3A_204 = arith.addi %scan3A_202, %scan3A_203 : i32
      %scan3A_205 = arith.constant 1 : i32
      scf.for %scan3A_296 = %scan3A_202 to %scan3A_204 step %scan3A_205  : i32 {
        %get3A = arith.index_cast %scan3A_296 : i32 to index
        %get3A_297 = arith.constant 0 : index
        %get3A_298 = tpu.vector_load %arg9[%get3A, %get3A_297] {strides = array<i32>} : memref<64x128xf32, #tpu.memory_space<vmem>>, vector<1x16xf32>,
        %get3A_299 = vector.shape_cast %get3A_298 : vector<1x16xf32> to vector<16xf32>
        %mul3A_300 = arith.constant 11.3137083 : f32
        %mul3A_301 = vector.broadcast %mul3A_300 : f32 to vector<16xf32>
        %mul3A_302 = arith.mulf %get3A_299, %mul3A_301 : vector<16xf32>
        %swap3A = arith.index_cast %scan3A_296 : i32 to index
        %swap3A_303 = arith.constant 0 : index
        %swap3A_304 = tpu.vector_load %arg9[%swap3A, %swap3A_303] {strides = array<i32>} : memref<64x128xf32, #tpu.memory_space<vmem>>, vector<1x16xf32>,
        %swap3A_305 = vector.shape_cast %swap3A_304 : vector<1x16xf32> to vector<16xf32>
        %swap3A_306 = vector.shape_cast %mul3A_302 : vector<16xf32> to vector<1x16xf32>
        tpu.vector_store %arg9[%swap3A, %swap3A_303], %swap3A_306 {strides = array<i32>} : memref<64x128xf32, #tpu.memory_space<vmem>>, vector<1x16xf32>,
        %get3A_307 = arith.index_cast %scan3A_296 : i32 to index
        %get3A_308 = arith.constant 16 : index
        %get3A_309 = tpu.vector_load %arg9[%get3A_307, %get3A_308] {strides = array<i32>} : memref<64x128xf32, #tpu.memory_space<vmem>>, vector<1x16xf32>,
        %get3A_310 = vector.shape_cast %get3A_309 : vector<1x16xf32> to vector<16xf32>
        %mul3A_311 = arith.constant 11.3137083 : f32
        %mul3A_312 = vector.broadcast %mul3A_311 : f32 to vector<16xf32>
        %mul3A_313 = arith.mulf %get3A_310, %mul3A_312 : vector<16xf32>
        %swap3A_314 = arith.index_cast %scan3A_296 : i32 to index
        %swap3A_315 = arith.constant 16 : index
        %swap3A_316 = tpu.vector_load %arg9[%swap3A_314, %swap3A_315] {strides = array<i32>} : memref<64x128xf32, #tpu.memory_space<vmem>>, vector<1x16xf32>,
        %swap3A_317 = vector.shape_cast %swap3A_316 : vector<1x16xf32> to vector<16xf32>
        %swap3A_318 = vector.shape_cast %mul3A_313 : vector<16xf32> to vector<1x16xf32>
        tpu.vector_store %arg9[%swap3A_314, %swap3A_315], %swap3A_318 {strides = array<i32>} : memref<64x128xf32, #tpu.memory_space<vmem>>, vector<1x16xf32>,
        %get3A_319 = arith.index_cast %scan3A_296 : i32 to index
        %get3A_320 = arith.constant 32 : index
        %get3A_321 = tpu.vector_load %arg9[%get3A_319, %get3A_320] {strides = array<i32>} : memref<64x128xf32, #tpu.memory_space<vmem>>, vector<1x16xf32>,
        %get3A_322 = vector.shape_cast %get3A_321 : vector<1x16xf32> to vector<16xf32>
        %mul3A_323 = arith.constant 11.3137083 : f32
        %mul3A_324 = vector.broadcast %mul3A_323 : f32 to vector<16xf32>
        %mul3A_325 = arith.mulf %get3A_322, %mul3A_324 : vector<16xf32>
        %swap3A_326 = arith.index_cast %scan3A_296 : i32 to index
        %swap3A_327 = arith.constant 32 : index
        %swap3A_328 = tpu.vector_load %arg9[%swap3A_326, %swap3A_327] {strides = array<i32>} : memref<64x128xf32, #tpu.memory_space<vmem>>, vector<1x16xf32>,
        %swap3A_329 = vector.shape_cast %swap3A_328 : vector<1x16xf32> to vector<16xf32>
        %swap3A_330 = vector.shape_cast %mul3A_325 : vector<16xf32> to vector<1x16xf32>
        tpu.vector_store %arg9[%swap3A_326, %swap3A_327], %swap3A_330 {strides = array<i32>} : memref<64x128xf32, #tpu.memory_space<vmem>>, vector<1x16xf32>,
        %get3A_331 = arith.index_cast %scan3A_296 : i32 to index
        %get3A_332 = arith.constant 48 : index
        %get3A_333 = tpu.vector_load %arg9[%get3A_331, %get3A_332] {strides = array<i32>} : memref<64x128xf32, #tpu.memory_space<vmem>>, vector<1x16xf32>,
        %get3A_334 = vector.shape_cast %get3A_333 : vector<1x16xf32> to vector<16xf32>
        %mul3A_335 = arith.constant 11.3137083 : f32
        %mul3A_336 = vector.broadcast %mul3A_335 : f32 to vector<16xf32>
        %mul3A_337 = arith.mulf %get3A_334, %mul3A_336 : vector<16xf32>
        %swap3A_338 = arith.index_cast %scan3A_296 : i32 to index
        %swap3A_339 = arith.constant 48 : index
        %swap3A_340 = tpu.vector_load %arg9[%swap3A_338, %swap3A_339] {strides = array<i32>} : memref<64x128xf32, #tpu.memory_space<vmem>>, vector<1x16xf32>,
        %swap3A_341 = vector.shape_cast %swap3A_340 : vector<1x16xf32> to vector<16xf32>
        %swap3A_342 = vector.shape_cast %mul3A_337 : vector<16xf32> to vector<1x16xf32>
        tpu.vector_store %arg9[%swap3A_338, %swap3A_339], %swap3A_342 {strides = array<i32>} : memref<64x128xf32, #tpu.memory_space<vmem>>, vector<1x16xf32>,
        %get3A_343 = arith.index_cast %scan3A_296 : i32 to index
        %get3A_344 = arith.constant 64 : index
        %get3A_345 = tpu.vector_load %arg9[%get3A_343, %get3A_344] {strides = array<i32>} : memref<64x128xf32, #tpu.memory_space<vmem>>, vector<1x16xf32>,
        %get3A_346 = vector.shape_cast %get3A_345 : vector<1x16xf32> to vector<16xf32>
        %mul3A_347 = arith.constant 11.3137083 : f32
        %mul3A_348 = vector.broadcast %mul3A_347 : f32 to vector<16xf32>
        %mul3A_349 = arith.mulf %get3A_346, %mul3A_348 : vector<16xf32>
        %swap3A_350 = arith.index_cast %scan3A_296 : i32 to index
        %swap3A_351 = arith.constant 64 : index
        %swap3A_352 = tpu.vector_load %arg9[%swap3A_350, %swap3A_351] {strides = array<i32>} : memref<64x128xf32, #tpu.memory_space<vmem>>, vector<1x16xf32>,
        %swap3A_353 = vector.shape_cast %swap3A_352 : vector<1x16xf32> to vector<16xf32>
        %swap3A_354 = vector.shape_cast %mul3A_349 : vector<16xf32> to vector<1x16xf32>
        tpu.vector_store %arg9[%swap3A_350, %swap3A_351], %swap3A_354 {strides = array<i32>} : memref<64x128xf32, #tpu.memory_space<vmem>>, vector<1x16xf32>,
        %get3A_355 = arith.index_cast %scan3A_296 : i32 to index
        %get3A_356 = arith.constant 80 : index
        %get3A_357 = tpu.vector_load %arg9[%get3A_355, %get3A_356] {strides = array<i32>} : memref<64x128xf32, #tpu.memory_space<vmem>>, vector<1x16xf32>,
        %get3A_358 = vector.shape_cast %get3A_357 : vector<1x16xf32> to vector<16xf32>
        %mul3A_359 = arith.constant 11.3137083 : f32
        %mul3A_360 = vector.broadcast %mul3A_359 : f32 to vector<16xf32>
        %mul3A_361 = arith.mulf %get3A_358, %mul3A_360 : vector<16xf32>
        %swap3A_362 = arith.index_cast %scan3A_296 : i32 to index
        %swap3A_363 = arith.constant 80 : index
        %swap3A_364 = tpu.vector_load %arg9[%swap3A_362, %swap3A_363] {strides = array<i32>} : memref<64x128xf32, #tpu.memory_space<vmem>>, vector<1x16xf32>,
        %swap3A_365 = vector.shape_cast %swap3A_364 : vector<1x16xf32> to vector<16xf32>
        %swap3A_366 = vector.shape_cast %mul3A_361 : vector<16xf32> to vector<1x16xf32>
        tpu.vector_store %arg9[%swap3A_362, %swap3A_363], %swap3A_366 {strides = array<i32>} : memref<64x128xf32, #tpu.memory_space<vmem>>, vector<1x16xf32>,
        %get3A_367 = arith.index_cast %scan3A_296 : i32 to index
        %get3A_368 = arith.constant 96 : index
        %get3A_369 = tpu.vector_load %arg9[%get3A_367, %get3A_368] {strides = array<i32>} : memref<64x128xf32, #tpu.memory_space<vmem>>, vector<1x16xf32>,
        %get3A_370 = vector.shape_cast %get3A_369 : vector<1x16xf32> to vector<16xf32>
        %mul3A_371 = arith.constant 11.3137083 : f32
        %mul3A_372 = vector.broadcast %mul3A_371 : f32 to vector<16xf32>
        %mul3A_373 = arith.mulf %get3A_370, %mul3A_372 : vector<16xf32>
        %swap3A_374 = arith.index_cast %scan3A_296 : i32 to index
        %swap3A_375 = arith.constant 96 : index
        %swap3A_376 = tpu.vector_load %arg9[%swap3A_374, %swap3A_375] {strides = array<i32>} : memref<64x128xf32, #tpu.memory_space<vmem>>, vector<1x16xf32>,
        %swap3A_377 = vector.shape_cast %swap3A_376 : vector<1x16xf32> to vector<16xf32>
        %swap3A_378 = vector.shape_cast %mul3A_373 : vector<16xf32> to vector<1x16xf32>
        tpu.vector_store %arg9[%swap3A_374, %swap3A_375], %swap3A_378 {strides = array<i32>} : memref<64x128xf32, #tpu.memory_space<vmem>>, vector<1x16xf32>,
        %get3A_379 = arith.index_cast %scan3A_296 : i32 to index
        %get3A_380 = arith.constant 112 : index
        %get3A_381 = tpu.vector_load %arg9[%get3A_379, %get3A_380] {strides = array<i32>} : memref<64x128xf32, #tpu.memory_space<vmem>>, vector<1x16xf32>,
        %get3A_382 = vector.shape_cast %get3A_381 : vector<1x16xf32> to vector<16xf32>
        %mul3A_383 = arith.constant 11.3137083 : f32
        %mul3A_384 = vector.broadcast %mul3A_383 : f32 to vector<16xf32>
        %mul3A_385 = arith.mulf %get3A_382, %mul3A_384 : vector<16xf32>
        %swap3A_386 = arith.index_cast %scan3A_296 : i32 to index
        %swap3A_387 = arith.constant 112 : index
        %swap3A_388 = tpu.vector_load %arg9[%swap3A_386, %swap3A_387] {strides = array<i32>} : memref<64x128xf32, #tpu.memory_space<vmem>>, vector<1x16xf32>,
        %swap3A_389 = vector.shape_cast %swap3A_388 : vector<1x16xf32> to vector<16xf32>
        %swap3A_390 = vector.shape_cast %mul3A_385 : vector<16xf32> to vector<1x16xf32>
        tpu.vector_store %arg9[%swap3A_386, %swap3A_387], %swap3A_390 {strides = array<i32>} : memref<64x128xf32, #tpu.memory_space<vmem>>, vector<1x16xf32>,
      }
      %scan3A_206 = arith.constant 64 : i32
      %sub3A_207 = arith.constant 2 : i32
      %sub3A_208 = arith.subi %add3A_177, %sub3A_207 : i32
      %mul3A_209 = arith.constant 64 : i32
      %mul3A_210 = arith.muli %sub3A_208, %mul3A_209 : i32
      %add3A_211 = arith.addi %mul3A_2, %mul3A_210 : i32
      %dma_start3A_212 = arith.constant 0 : i32
      %dma_start3A_213 = tpu.memref_slice %arg4[%add3A_211, %dma_start3A_212] : memref<819200x128xf32, #tpu.memory_space<hbm>> -> memref<64x128xf32, #tpu.memory_space<hbm>>
      %dma_start3A_214 = arith.constant 0 : i32
      %dma_start3A_215 = tpu.memref_slice %arg4[%add3A_211, %dma_start3A_214] : memref<819200x128xf32, #tpu.memory_space<hbm>> -> memref<64x128xf32, #tpu.memory_space<hbm>>
      tpu.enqueue_dma source(%arg9 : memref<64x128xf32, #tpu.memory_space<vmem>>) target(%dma_start3A_215 : memref<64x128xf32, #tpu.memory_space<hbm>>) target_semaphore(%arg17 : memref<!tpu.dma_semaphore, #tpu.memory_space<semaphore_mem>>)
      %add3A_216 = arith.constant 2 : i32
      %add3A_217 = arith.addi %mul3A_136, %add3A_216 : i32
      %sub3A_218 = arith.constant 4 : i32
      %sub3A_219 = arith.subi %add3A_217, %sub3A_218 : i32
      %mul3A_220 = arith.constant 64 : i32
      %mul3A_221 = arith.muli %sub3A_219, %mul3A_220 : i32
      %add3A_222 = arith.addi %mul3A_2, %mul3A_221 : i32
      %dma_wait3A_223 = arith.constant 0 : i32
      %dma_wait3A_224 = tpu.memref_slice %arg4[%add3A_222, %dma_wait3A_223] : memref<819200x128xf32, #tpu.memory_space<hbm>> -> memref<64x128xf32, #tpu.memory_space<hbm>>
      %dma_wait3A_225 = arith.constant 0 : i32
      %dma_wait3A_226 = tpu.memref_slice %arg4[%add3A_222, %dma_wait3A_225] : memref<819200x128xf32, #tpu.memory_space<hbm>> -> memref<64x128xf32, #tpu.memory_space<hbm>>
      tpu.wait_dma2 semaphore(%arg16 : memref<!tpu.dma_semaphore, #tpu.memory_space<semaphore_mem>>) src(%arg8 : memref<64x128xf32, #tpu.memory_space<vmem>>) dst(%dma_wait3A_226 : memref<64x128xf32, #tpu.memory_space<hbm>>)
      %dma_start3A_227 = arith.constant 0 : i32
      %dma_start3A_228 = tpu.memref_slice %arg5[%add3A_217, %dma_start3A_227] : memref<400x64xi32, #tpu.memory_space<vmem>> -> memref<1x64xi32, #tpu.memory_space<vmem>>
      %dma_start3A_229 = tpu.memref_squeeze %dma_start3A_228 : memref<1x64xi32, #tpu.memory_space<vmem>> -> memref<64xi32, #tpu.memory_space<vmem>>
      %dma_start3A_230 = arith.constant 0 : i32
      %dma_start3A_231 = arith.constant 0 : i32
      %dma_start3A_232 = tpu.memref_slice %arg3[%dma_start3A_230, %dma_start3A_231] : memref<100000x128xf32, #tpu.memory_space<hbm>> -> memref<100000x128xf32, #tpu.memory_space<hbm>>
      tpu.enqueue_indirect_dma source(%dma_start3A_232 : memref<100000x128xf32, #tpu.memory_space<hbm>>) target(%arg8 : memref<64x128xf32, #tpu.memory_space<vmem>>) offsets(%dma_start3A_229 : memref<64xi32, #tpu.memory_space<vmem>>) semaphore(%arg12 : memref<!tpu.dma_semaphore, #tpu.memory_space<semaphore_mem>>)
      %sub3A_233 = arith.constant 2 : i32
      %sub3A_234 = arith.subi %add3A_217, %sub3A_233 : i32
      %dma_wait3A_235 = arith.constant 0 : i32
      %dma_wait3A_236 = tpu.memref_slice %arg5[%sub3A_234, %dma_wait3A_235] : memref<400x64xi32, #tpu.memory_space<vmem>> -> memref<1x64xi32, #tpu.memory_space<vmem>>
      %dma_wait3A_237 = tpu.memref_squeeze %dma_wait3A_236 : memref<1x64xi32, #tpu.memory_space<vmem>> -> memref<64xi32, #tpu.memory_space<vmem>>
      %dma_wait3A_238 = arith.constant 0 : i32
      %dma_wait3A_239 = arith.constant 0 : i32
      %dma_wait3A_240 = tpu.memref_slice %arg3[%dma_wait3A_238, %dma_wait3A_239] : memref<100000x128xf32, #tpu.memory_space<hbm>> -> memref<100000x128xf32, #tpu.memory_space<hbm>>
      tpu.wait_indirect_dma semaphore(%arg10 : memref<!tpu.dma_semaphore, #tpu.memory_space<semaphore_mem>>) src(%dma_wait3A_240 : memref<100000x128xf32, #tpu.memory_space<hbm>>) dst(%arg6 : memref<64x128xf32, #tpu.memory_space<vmem>>)
      %scan3A_241 = arith.constant 0 : i32
      %scan3A_242 = arith.constant 0 : i32
      %scan3A_243 = arith.constant 64 : i32
      %scan3A_244 = arith.addi %scan3A_242, %scan3A_243 : i32
      %scan3A_245 = arith.constant 1 : i32
      scf.for %scan3A_296 = %scan3A_242 to %scan3A_244 step %scan3A_245  : i32 {
        %get3A = arith.index_cast %scan3A_296 : i32 to index
        %get3A_297 = arith.constant 0 : index
        %get3A_298 = tpu.vector_load %arg6[%get3A, %get3A_297] {strides = array<i32>} : memref<64x128xf32, #tpu.memory_space<vmem>>, vector<1x16xf32>,
        %get3A_299 = vector.shape_cast %get3A_298 : vector<1x16xf32> to vector<16xf32>
        %mul3A_300 = arith.constant 11.3137083 : f32
        %mul3A_301 = vector.broadcast %mul3A_300 : f32 to vector<16xf32>
        %mul3A_302 = arith.mulf %get3A_299, %mul3A_301 : vector<16xf32>
        %swap3A = arith.index_cast %scan3A_296 : i32 to index
        %swap3A_303 = arith.constant 0 : index
        %swap3A_304 = tpu.vector_load %arg6[%swap3A, %swap3A_303] {strides = array<i32>} : memref<64x128xf32, #tpu.memory_space<vmem>>, vector<1x16xf32>,
        %swap3A_305 = vector.shape_cast %swap3A_304 : vector<1x16xf32> to vector<16xf32>
        %swap3A_306 = vector.shape_cast %mul3A_302 : vector<16xf32> to vector<1x16xf32>
        tpu.vector_store %arg6[%swap3A, %swap3A_303], %swap3A_306 {strides = array<i32>} : memref<64x128xf32, #tpu.memory_space<vmem>>, vector<1x16xf32>,
        %get3A_307 = arith.index_cast %scan3A_296 : i32 to index
        %get3A_308 = arith.constant 16 : index
        %get3A_309 = tpu.vector_load %arg6[%get3A_307, %get3A_308] {strides = array<i32>} : memref<64x128xf32, #tpu.memory_space<vmem>>, vector<1x16xf32>,
        %get3A_310 = vector.shape_cast %get3A_309 : vector<1x16xf32> to vector<16xf32>
        %mul3A_311 = arith.constant 11.3137083 : f32
        %mul3A_312 = vector.broadcast %mul3A_311 : f32 to vector<16xf32>
        %mul3A_313 = arith.mulf %get3A_310, %mul3A_312 : vector<16xf32>
        %swap3A_314 = arith.index_cast %scan3A_296 : i32 to index
        %swap3A_315 = arith.constant 16 : index
        %swap3A_316 = tpu.vector_load %arg6[%swap3A_314, %swap3A_315] {strides = array<i32>} : memref<64x128xf32, #tpu.memory_space<vmem>>, vector<1x16xf32>,
        %swap3A_317 = vector.shape_cast %swap3A_316 : vector<1x16xf32> to vector<16xf32>
        %swap3A_318 = vector.shape_cast %mul3A_313 : vector<16xf32> to vector<1x16xf32>
        tpu.vector_store %arg6[%swap3A_314, %swap3A_315], %swap3A_318 {strides = array<i32>} : memref<64x128xf32, #tpu.memory_space<vmem>>, vector<1x16xf32>,
        %get3A_319 = arith.index_cast %scan3A_296 : i32 to index
        %get3A_320 = arith.constant 32 : index
        %get3A_321 = tpu.vector_load %arg6[%get3A_319, %get3A_320] {strides = array<i32>} : memref<64x128xf32, #tpu.memory_space<vmem>>, vector<1x16xf32>,
        %get3A_322 = vector.shape_cast %get3A_321 : vector<1x16xf32> to vector<16xf32>
        %mul3A_323 = arith.constant 11.3137083 : f32
        %mul3A_324 = vector.broadcast %mul3A_323 : f32 to vector<16xf32>
        %mul3A_325 = arith.mulf %get3A_322, %mul3A_324 : vector<16xf32>
        %swap3A_326 = arith.index_cast %scan3A_296 : i32 to index
        %swap3A_327 = arith.constant 32 : index
        %swap3A_328 = tpu.vector_load %arg6[%swap3A_326, %swap3A_327] {strides = array<i32>} : memref<64x128xf32, #tpu.memory_space<vmem>>, vector<1x16xf32>,
        %swap3A_329 = vector.shape_cast %swap3A_328 : vector<1x16xf32> to vector<16xf32>
        %swap3A_330 = vector.shape_cast %mul3A_325 : vector<16xf32> to vector<1x16xf32>
        tpu.vector_store %arg6[%swap3A_326, %swap3A_327], %swap3A_330 {strides = array<i32>} : memref<64x128xf32, #tpu.memory_space<vmem>>, vector<1x16xf32>,
        %get3A_331 = arith.index_cast %scan3A_296 : i32 to index
        %get3A_332 = arith.constant 48 : index
        %get3A_333 = tpu.vector_load %arg6[%get3A_331, %get3A_332] {strides = array<i32>} : memref<64x128xf32, #tpu.memory_space<vmem>>, vector<1x16xf32>,
        %get3A_334 = vector.shape_cast %get3A_333 : vector<1x16xf32> to vector<16xf32>
        %mul3A_335 = arith.constant 11.3137083 : f32
        %mul3A_336 = vector.broadcast %mul3A_335 : f32 to vector<16xf32>
        %mul3A_337 = arith.mulf %get3A_334, %mul3A_336 : vector<16xf32>
        %swap3A_338 = arith.index_cast %scan3A_296 : i32 to index
        %swap3A_339 = arith.constant 48 : index
        %swap3A_340 = tpu.vector_load %arg6[%swap3A_338, %swap3A_339] {strides = array<i32>} : memref<64x128xf32, #tpu.memory_space<vmem>>, vector<1x16xf32>,
        %swap3A_341 = vector.shape_cast %swap3A_340 : vector<1x16xf32> to vector<16xf32>
        %swap3A_342 = vector.shape_cast %mul3A_337 : vector<16xf32> to vector<1x16xf32>
        tpu.vector_store %arg6[%swap3A_338, %swap3A_339], %swap3A_342 {strides = array<i32>} : memref<64x128xf32, #tpu.memory_space<vmem>>, vector<1x16xf32>,
        %get3A_343 = arith.index_cast %scan3A_296 : i32 to index
        %get3A_344 = arith.constant 64 : index
        %get3A_345 = tpu.vector_load %arg6[%get3A_343, %get3A_344] {strides = array<i32>} : memref<64x128xf32, #tpu.memory_space<vmem>>, vector<1x16xf32>,
        %get3A_346 = vector.shape_cast %get3A_345 : vector<1x16xf32> to vector<16xf32>
        %mul3A_347 = arith.constant 11.3137083 : f32
        %mul3A_348 = vector.broadcast %mul3A_347 : f32 to vector<16xf32>
        %mul3A_349 = arith.mulf %get3A_346, %mul3A_348 : vector<16xf32>
        %swap3A_350 = arith.index_cast %scan3A_296 : i32 to index
        %swap3A_351 = arith.constant 64 : index
        %swap3A_352 = tpu.vector_load %arg6[%swap3A_350, %swap3A_351] {strides = array<i32>} : memref<64x128xf32, #tpu.memory_space<vmem>>, vector<1x16xf32>,
        %swap3A_353 = vector.shape_cast %swap3A_352 : vector<1x16xf32> to vector<16xf32>
        %swap3A_354 = vector.shape_cast %mul3A_349 : vector<16xf32> to vector<1x16xf32>
        tpu.vector_store %arg6[%swap3A_350, %swap3A_351], %swap3A_354 {strides = array<i32>} : memref<64x128xf32, #tpu.memory_space<vmem>>, vector<1x16xf32>,
        %get3A_355 = arith.index_cast %scan3A_296 : i32 to index
        %get3A_356 = arith.constant 80 : index
        %get3A_357 = tpu.vector_load %arg6[%get3A_355, %get3A_356] {strides = array<i32>} : memref<64x128xf32, #tpu.memory_space<vmem>>, vector<1x16xf32>,
        %get3A_358 = vector.shape_cast %get3A_357 : vector<1x16xf32> to vector<16xf32>
        %mul3A_359 = arith.constant 11.3137083 : f32
        %mul3A_360 = vector.broadcast %mul3A_359 : f32 to vector<16xf32>
        %mul3A_361 = arith.mulf %get3A_358, %mul3A_360 : vector<16xf32>
        %swap3A_362 = arith.index_cast %scan3A_296 : i32 to index
        %swap3A_363 = arith.constant 80 : index
        %swap3A_364 = tpu.vector_load %arg6[%swap3A_362, %swap3A_363] {strides = array<i32>} : memref<64x128xf32, #tpu.memory_space<vmem>>, vector<1x16xf32>,
        %swap3A_365 = vector.shape_cast %swap3A_364 : vector<1x16xf32> to vector<16xf32>
        %swap3A_366 = vector.shape_cast %mul3A_361 : vector<16xf32> to vector<1x16xf32>
        tpu.vector_store %arg6[%swap3A_362, %swap3A_363], %swap3A_366 {strides = array<i32>} : memref<64x128xf32, #tpu.memory_space<vmem>>, vector<1x16xf32>,
        %get3A_367 = arith.index_cast %scan3A_296 : i32 to index
        %get3A_368 = arith.constant 96 : index
        %get3A_369 = tpu.vector_load %arg6[%get3A_367, %get3A_368] {strides = array<i32>} : memref<64x128xf32, #tpu.memory_space<vmem>>, vector<1x16xf32>,
        %get3A_370 = vector.shape_cast %get3A_369 : vector<1x16xf32> to vector<16xf32>
        %mul3A_371 = arith.constant 11.3137083 : f32
        %mul3A_372 = vector.broadcast %mul3A_371 : f32 to vector<16xf32>
        %mul3A_373 = arith.mulf %get3A_370, %mul3A_372 : vector<16xf32>
        %swap3A_374 = arith.index_cast %scan3A_296 : i32 to index
        %swap3A_375 = arith.constant 96 : index
        %swap3A_376 = tpu.vector_load %arg6[%swap3A_374, %swap3A_375] {strides = array<i32>} : memref<64x128xf32, #tpu.memory_space<vmem>>, vector<1x16xf32>,
        %swap3A_377 = vector.shape_cast %swap3A_376 : vector<1x16xf32> to vector<16xf32>
        %swap3A_378 = vector.shape_cast %mul3A_373 : vector<16xf32> to vector<1x16xf32>
        tpu.vector_store %arg6[%swap3A_374, %swap3A_375], %swap3A_378 {strides = array<i32>} : memref<64x128xf32, #tpu.memory_space<vmem>>, vector<1x16xf32>,
        %get3A_379 = arith.index_cast %scan3A_296 : i32 to index
        %get3A_380 = arith.constant 112 : index
        %get3A_381 = tpu.vector_load %arg6[%get3A_379, %get3A_380] {strides = array<i32>} : memref<64x128xf32, #tpu.memory_space<vmem>>, vector<1x16xf32>,
        %get3A_382 = vector.shape_cast %get3A_381 : vector<1x16xf32> to vector<16xf32>
        %mul3A_383 = arith.constant 11.3137083 : f32
        %mul3A_384 = vector.broadcast %mul3A_383 : f32 to vector<16xf32>
        %mul3A_385 = arith.mulf %get3A_382, %mul3A_384 : vector<16xf32>
        %swap3A_386 = arith.index_cast %scan3A_296 : i32 to index
        %swap3A_387 = arith.constant 112 : index
        %swap3A_388 = tpu.vector_load %arg6[%swap3A_386, %swap3A_387] {strides = array<i32>} : memref<64x128xf32, #tpu.memory_space<vmem>>, vector<1x16xf32>,
        %swap3A_389 = vector.shape_cast %swap3A_388 : vector<1x16xf32> to vector<16xf32>
        %swap3A_390 = vector.shape_cast %mul3A_385 : vector<16xf32> to vector<1x16xf32>
        tpu.vector_store %arg6[%swap3A_386, %swap3A_387], %swap3A_390 {strides = array<i32>} : memref<64x128xf32, #tpu.memory_space<vmem>>, vector<1x16xf32>,
      }
      %scan3A_246 = arith.constant 64 : i32
      %sub3A_247 = arith.constant 2 : i32
      %sub3A_248 = arith.subi %add3A_217, %sub3A_247 : i32
      %mul3A_249 = arith.constant 64 : i32
      %mul3A_250 = arith.muli %sub3A_248, %mul3A_249 : i32
      %add3A_251 = arith.addi %mul3A_2, %mul3A_250 : i32
      %dma_start3A_252 = arith.constant 0 : i32
      %dma_start3A_253 = tpu.memref_slice %arg4[%add3A_251, %dma_start3A_252] : memref<819200x128xf32, #tpu.memory_space<hbm>> -> memref<64x128xf32, #tpu.memory_space<hbm>>
      %dma_start3A_254 = arith.constant 0 : i32
      %dma_start3A_255 = tpu.memref_slice %arg4[%add3A_251, %dma_start3A_254] : memref<819200x128xf32, #tpu.memory_space<hbm>> -> memref<64x128xf32, #tpu.memory_space<hbm>>
      tpu.enqueue_dma source(%arg6 : memref<64x128xf32, #tpu.memory_space<vmem>>) target(%dma_start3A_255 : memref<64x128xf32, #tpu.memory_space<hbm>>) target_semaphore(%arg14 : memref<!tpu.dma_semaphore, #tpu.memory_space<semaphore_mem>>)
      %add3A_256 = arith.constant 3 : i32
      %add3A_257 = arith.addi %mul3A_136, %add3A_256 : i32
      %sub3A_258 = arith.constant 4 : i32
      %sub3A_259 = arith.subi %add3A_257, %sub3A_258 : i32
      %mul3A_260 = arith.constant 64 : i32
      %mul3A_261 = arith.muli %sub3A_259, %mul3A_260 : i32
      %add3A_262 = arith.addi %mul3A_2, %mul3A_261 : i32
      %dma_wait3A_263 = arith.constant 0 : i32
      %dma_wait3A_264 = tpu.memref_slice %arg4[%add3A_262, %dma_wait3A_263] : memref<819200x128xf32, #tpu.memory_space<hbm>> -> memref<64x128xf32, #tpu.memory_space<hbm>>
      %dma_wait3A_265 = arith.constant 0 : i32
      %dma_wait3A_266 = tpu.memref_slice %arg4[%add3A_262, %dma_wait3A_265] : memref<819200x128xf32, #tpu.memory_space<hbm>> -> memref<64x128xf32, #tpu.memory_space<hbm>>
      tpu.wait_dma2 semaphore(%arg17 : memref<!tpu.dma_semaphore, #tpu.memory_space<semaphore_mem>>) src(%arg9 : memref<64x128xf32, #tpu.memory_space<vmem>>) dst(%dma_wait3A_266 : memref<64x128xf32, #tpu.memory_space<hbm>>)
      %dma_start3A_267 = arith.constant 0 : i32
      %dma_start3A_268 = tpu.memref_slice %arg5[%add3A_257, %dma_start3A_267] : memref<400x64xi32, #tpu.memory_space<vmem>> -> memref<1x64xi32, #tpu.memory_space<vmem>>
      %dma_start3A_269 = tpu.memref_squeeze %dma_start3A_268 : memref<1x64xi32, #tpu.memory_space<vmem>> -> memref<64xi32, #tpu.memory_space<vmem>>
      %dma_start3A_270 = arith.constant 0 : i32
      %dma_start3A_271 = arith.constant 0 : i32
      %dma_start3A_272 = tpu.memref_slice %arg3[%dma_start3A_270, %dma_start3A_271] : memref<100000x128xf32, #tpu.memory_space<hbm>> -> memref<100000x128xf32, #tpu.memory_space<hbm>>
      tpu.enqueue_indirect_dma source(%dma_start3A_272 : memref<100000x128xf32, #tpu.memory_space<hbm>>) target(%arg9 : memref<64x128xf32, #tpu.memory_space<vmem>>) offsets(%dma_start3A_269 : memref<64xi32, #tpu.memory_space<vmem>>) semaphore(%arg13 : memref<!tpu.dma_semaphore, #tpu.memory_space<semaphore_mem>>)
      %sub3A_273 = arith.constant 2 : i32
      %sub3A_274 = arith.subi %add3A_257, %sub3A_273 : i32
      %dma_wait3A_275 = arith.constant 0 : i32
      %dma_wait3A_276 = tpu.memref_slice %arg5[%sub3A_274, %dma_wait3A_275] : memref<400x64xi32, #tpu.memory_space<vmem>> -> memref<1x64xi32, #tpu.memory_space<vmem>>
      %dma_wait3A_277 = tpu.memref_squeeze %dma_wait3A_276 : memref<1x64xi32, #tpu.memory_space<vmem>> -> memref<64xi32, #tpu.memory_space<vmem>>
      %dma_wait3A_278 = arith.constant 0 : i32
      %dma_wait3A_279 = arith.constant 0 : i32
      %dma_wait3A_280 = tpu.memref_slice %arg3[%dma_wait3A_278, %dma_wait3A_279] : memref<100000x128xf32, #tpu.memory_space<hbm>> -> memref<100000x128xf32, #tpu.memory_space<hbm>>
      tpu.wait_indirect_dma semaphore(%arg11 : memref<!tpu.dma_semaphore, #tpu.memory_space<semaphore_mem>>) src(%dma_wait3A_280 : memref<100000x128xf32, #tpu.memory_space<hbm>>) dst(%arg7 : memref<64x128xf32, #tpu.memory_space<vmem>>)
      %scan3A_281 = arith.constant 0 : i32
      %scan3A_282 = arith.constant 0 : i32
      %scan3A_283 = arith.constant 64 : i32
      %scan3A_284 = arith.addi %scan3A_282, %scan3A_283 : i32
      %scan3A_285 = arith.constant 1 : i32
      scf.for %scan3A_296 = %scan3A_282 to %scan3A_284 step %scan3A_285  : i32 {
        %get3A = arith.index_cast %scan3A_296 : i32 to index
        %get3A_297 = arith.constant 0 : index
        %get3A_298 = tpu.vector_load %arg7[%get3A, %get3A_297] {strides = array<i32>} : memref<64x128xf32, #tpu.memory_space<vmem>>, vector<1x16xf32>,
        %get3A_299 = vector.shape_cast %get3A_298 : vector<1x16xf32> to vector<16xf32>
        %mul3A_300 = arith.constant 11.3137083 : f32
        %mul3A_301 = vector.broadcast %mul3A_300 : f32 to vector<16xf32>
        %mul3A_302 = arith.mulf %get3A_299, %mul3A_301 : vector<16xf32>
        %swap3A = arith.index_cast %scan3A_296 : i32 to index
        %swap3A_303 = arith.constant 0 : index
        %swap3A_304 = tpu.vector_load %arg7[%swap3A, %swap3A_303] {strides = array<i32>} : memref<64x128xf32, #tpu.memory_space<vmem>>, vector<1x16xf32>,
        %swap3A_305 = vector.shape_cast %swap3A_304 : vector<1x16xf32> to vector<16xf32>
        %swap3A_306 = vector.shape_cast %mul3A_302 : vector<16xf32> to vector<1x16xf32>
        tpu.vector_store %arg7[%swap3A, %swap3A_303], %swap3A_306 {strides = array<i32>} : memref<64x128xf32, #tpu.memory_space<vmem>>, vector<1x16xf32>,
        %get3A_307 = arith.index_cast %scan3A_296 : i32 to index
        %get3A_308 = arith.constant 16 : index
        %get3A_309 = tpu.vector_load %arg7[%get3A_307, %get3A_308] {strides = array<i32>} : memref<64x128xf32, #tpu.memory_space<vmem>>, vector<1x16xf32>,
        %get3A_310 = vector.shape_cast %get3A_309 : vector<1x16xf32> to vector<16xf32>
        %mul3A_311 = arith.constant 11.3137083 : f32
        %mul3A_312 = vector.broadcast %mul3A_311 : f32 to vector<16xf32>
        %mul3A_313 = arith.mulf %get3A_310, %mul3A_312 : vector<16xf32>
        %swap3A_314 = arith.index_cast %scan3A_296 : i32 to index
        %swap3A_315 = arith.constant 16 : index
        %swap3A_316 = tpu.vector_load %arg7[%swap3A_314, %swap3A_315] {strides = array<i32>} : memref<64x128xf32, #tpu.memory_space<vmem>>, vector<1x16xf32>,
        %swap3A_317 = vector.shape_cast %swap3A_316 : vector<1x16xf32> to vector<16xf32>
        %swap3A_318 = vector.shape_cast %mul3A_313 : vector<16xf32> to vector<1x16xf32>
        tpu.vector_store %arg7[%swap3A_314, %swap3A_315], %swap3A_318 {strides = array<i32>} : memref<64x128xf32, #tpu.memory_space<vmem>>, vector<1x16xf32>,
        %get3A_319 = arith.index_cast %scan3A_296 : i32 to index
        %get3A_320 = arith.constant 32 : index
        %get3A_321 = tpu.vector_load %arg7[%get3A_319, %get3A_320] {strides = array<i32>} : memref<64x128xf32, #tpu.memory_space<vmem>>, vector<1x16xf32>,
        %get3A_322 = vector.shape_cast %get3A_321 : vector<1x16xf32> to vector<16xf32>
        %mul3A_323 = arith.constant 11.3137083 : f32
        %mul3A_324 = vector.broadcast %mul3A_323 : f32 to vector<16xf32>
        %mul3A_325 = arith.mulf %get3A_322, %mul3A_324 : vector<16xf32>
        %swap3A_326 = arith.index_cast %scan3A_296 : i32 to index
        %swap3A_327 = arith.constant 32 : index
        %swap3A_328 = tpu.vector_load %arg7[%swap3A_326, %swap3A_327] {strides = array<i32>} : memref<64x128xf32, #tpu.memory_space<vmem>>, vector<1x16xf32>,
        %swap3A_329 = vector.shape_cast %swap3A_328 : vector<1x16xf32> to vector<16xf32>
        %swap3A_330 = vector.shape_cast %mul3A_325 : vector<16xf32> to vector<1x16xf32>
        tpu.vector_store %arg7[%swap3A_326, %swap3A_327], %swap3A_330 {strides = array<i32>} : memref<64x128xf32, #tpu.memory_space<vmem>>, vector<1x16xf32>,
        %get3A_331 = arith.index_cast %scan3A_296 : i32 to index
        %get3A_332 = arith.constant 48 : index
        %get3A_333 = tpu.vector_load %arg7[%get3A_331, %get3A_332] {strides = array<i32>} : memref<64x128xf32, #tpu.memory_space<vmem>>, vector<1x16xf32>,
        %get3A_334 = vector.shape_cast %get3A_333 : vector<1x16xf32> to vector<16xf32>
        %mul3A_335 = arith.constant 11.3137083 : f32
        %mul3A_336 = vector.broadcast %mul3A_335 : f32 to vector<16xf32>
        %mul3A_337 = arith.mulf %get3A_334, %mul3A_336 : vector<16xf32>
        %swap3A_338 = arith.index_cast %scan3A_296 : i32 to index
        %swap3A_339 = arith.constant 48 : index
        %swap3A_340 = tpu.vector_load %arg7[%swap3A_338, %swap3A_339] {strides = array<i32>} : memref<64x128xf32, #tpu.memory_space<vmem>>, vector<1x16xf32>,
        %swap3A_341 = vector.shape_cast %swap3A_340 : vector<1x16xf32> to vector<16xf32>
        %swap3A_342 = vector.shape_cast %mul3A_337 : vector<16xf32> to vector<1x16xf32>
        tpu.vector_store %arg7[%swap3A_338, %swap3A_339], %swap3A_342 {strides = array<i32>} : memref<64x128xf32, #tpu.memory_space<vmem>>, vector<1x16xf32>,
        %get3A_343 = arith.index_cast %scan3A_296 : i32 to index
        %get3A_344 = arith.constant 64 : index
        %get3A_345 = tpu.vector_load %arg7[%get3A_343, %get3A_344] {strides = array<i32>} : memref<64x128xf32, #tpu.memory_space<vmem>>, vector<1x16xf32>,
        %get3A_346 = vector.shape_cast %get3A_345 : vector<1x16xf32> to vector<16xf32>
        %mul3A_347 = arith.constant 11.3137083 : f32
        %mul3A_348 = vector.broadcast %mul3A_347 : f32 to vector<16xf32>
        %mul3A_349 = arith.mulf %get3A_346, %mul3A_348 : vector<16xf32>
        %swap3A_350 = arith.index_cast %scan3A_296 : i32 to index
        %swap3A_351 = arith.constant 64 : index
        %swap3A_352 = tpu.vector_load %arg7[%swap3A_350, %swap3A_351] {strides = array<i32>} : memref<64x128xf32, #tpu.memory_space<vmem>>, vector<1x16xf32>,
        %swap3A_353 = vector.shape_cast %swap3A_352 : vector<1x16xf32> to vector<16xf32>
        %swap3A_354 = vector.shape_cast %mul3A_349 : vector<16xf32> to vector<1x16xf32>
        tpu.vector_store %arg7[%swap3A_350, %swap3A_351], %swap3A_354 {strides = array<i32>} : memref<64x128xf32, #tpu.memory_space<vmem>>, vector<1x16xf32>,
        %get3A_355 = arith.index_cast %scan3A_296 : i32 to index
        %get3A_356 = arith.constant 80 : index
        %get3A_357 = tpu.vector_load %arg7[%get3A_355, %get3A_356] {strides = array<i32>} : memref<64x128xf32, #tpu.memory_space<vmem>>, vector<1x16xf32>,
        %get3A_358 = vector.shape_cast %get3A_357 : vector<1x16xf32> to vector<16xf32>
        %mul3A_359 = arith.constant 11.3137083 : f32
        %mul3A_360 = vector.broadcast %mul3A_359 : f32 to vector<16xf32>
        %mul3A_361 = arith.mulf %get3A_358, %mul3A_360 : vector<16xf32>
        %swap3A_362 = arith.index_cast %scan3A_296 : i32 to index
        %swap3A_363 = arith.constant 80 : index
        %swap3A_364 = tpu.vector_load %arg7[%swap3A_362, %swap3A_363] {strides = array<i32>} : memref<64x128xf32, #tpu.memory_space<vmem>>, vector<1x16xf32>,
        %swap3A_365 = vector.shape_cast %swap3A_364 : vector<1x16xf32> to vector<16xf32>
        %swap3A_366 = vector.shape_cast %mul3A_361 : vector<16xf32> to vector<1x16xf32>
        tpu.vector_store %arg7[%swap3A_362, %swap3A_363], %swap3A_366 {strides = array<i32>} : memref<64x128xf32, #tpu.memory_space<vmem>>, vector<1x16xf32>,
        %get3A_367 = arith.index_cast %scan3A_296 : i32 to index
        %get3A_368 = arith.constant 96 : index
        %get3A_369 = tpu.vector_load %arg7[%get3A_367, %get3A_368] {strides = array<i32>} : memref<64x128xf32, #tpu.memory_space<vmem>>, vector<1x16xf32>,
        %get3A_370 = vector.shape_cast %get3A_369 : vector<1x16xf32> to vector<16xf32>
        %mul3A_371 = arith.constant 11.3137083 : f32
        %mul3A_372 = vector.broadcast %mul3A_371 : f32 to vector<16xf32>
        %mul3A_373 = arith.mulf %get3A_370, %mul3A_372 : vector<16xf32>
        %swap3A_374 = arith.index_cast %scan3A_296 : i32 to index
        %swap3A_375 = arith.constant 96 : index
        %swap3A_376 = tpu.vector_load %arg7[%swap3A_374, %swap3A_375] {strides = array<i32>} : memref<64x128xf32, #tpu.memory_space<vmem>>, vector<1x16xf32>,
        %swap3A_377 = vector.shape_cast %swap3A_376 : vector<1x16xf32> to vector<16xf32>
        %swap3A_378 = vector.shape_cast %mul3A_373 : vector<16xf32> to vector<1x16xf32>
        tpu.vector_store %arg7[%swap3A_374, %swap3A_375], %swap3A_378 {strides = array<i32>} : memref<64x128xf32, #tpu.memory_space<vmem>>, vector<1x16xf32>,
        %get3A_379 = arith.index_cast %scan3A_296 : i32 to index
        %get3A_380 = arith.constant 112 : index
        %get3A_381 = tpu.vector_load %arg7[%get3A_379, %get3A_380] {strides = array<i32>} : memref<64x128xf32, #tpu.memory_space<vmem>>, vector<1x16xf32>,
        %get3A_382 = vector.shape_cast %get3A_381 : vector<1x16xf32> to vector<16xf32>
        %mul3A_383 = arith.constant 11.3137083 : f32
        %mul3A_384 = vector.broadcast %mul3A_383 : f32 to vector<16xf32>
        %mul3A_385 = arith.mulf %get3A_382, %mul3A_384 : vector<16xf32>
        %swap3A_386 = arith.index_cast %scan3A_296 : i32 to index
        %swap3A_387 = arith.constant 112 : index
        %swap3A_388 = tpu.vector_load %arg7[%swap3A_386, %swap3A_387] {strides = array<i32>} : memref<64x128xf32, #tpu.memory_space<vmem>>, vector<1x16xf32>,
        %swap3A_389 = vector.shape_cast %swap3A_388 : vector<1x16xf32> to vector<16xf32>
        %swap3A_390 = vector.shape_cast %mul3A_385 : vector<16xf32> to vector<1x16xf32>
        tpu.vector_store %arg7[%swap3A_386, %swap3A_387], %swap3A_390 {strides = array<i32>} : memref<64x128xf32, #tpu.memory_space<vmem>>, vector<1x16xf32>,
      }
      %scan3A_286 = arith.constant 64 : i32
      %sub3A_287 = arith.constant 2 : i32
      %sub3A_288 = arith.subi %add3A_257, %sub3A_287 : i32
      %mul3A_289 = arith.constant 64 : i32
      %mul3A_290 = arith.muli %sub3A_288, %mul3A_289 : i32
      %add3A_291 = arith.addi %mul3A_2, %mul3A_290 : i32
      %dma_start3A_292 = arith.constant 0 : i32
      %dma_start3A_293 = tpu.memref_slice %arg4[%add3A_291, %dma_start3A_292] : memref<819200x128xf32, #tpu.memory_space<hbm>> -> memref<64x128xf32, #tpu.memory_space<hbm>>
      %dma_start3A_294 = arith.constant 0 : i32
      %dma_start3A_295 = tpu.memref_slice %arg4[%add3A_291, %dma_start3A_294] : memref<819200x128xf32, #tpu.memory_space<hbm>> -> memref<64x128xf32, #tpu.memory_space<hbm>>
      tpu.enqueue_dma source(%arg7 : memref<64x128xf32, #tpu.memory_space<vmem>>) target(%dma_start3A_295 : memref<64x128xf32, #tpu.memory_space<hbm>>) target_semaphore(%arg15 : memref<!tpu.dma_semaphore, #tpu.memory_space<semaphore_mem>>)
    }
    %scan3A_71 = arith.constant 99 : i32
    %dma_wait3A_72 = arith.constant 398 : i32
    %dma_wait3A_73 = arith.constant 0 : i32
    %dma_wait3A_74 = tpu.memref_slice %arg5[%dma_wait3A_72, %dma_wait3A_73] : memref<400x64xi32, #tpu.memory_space<vmem>> -> memref<1x64xi32, #tpu.memory_space<vmem>>
    %dma_wait3A_75 = tpu.memref_squeeze %dma_wait3A_74 : memref<1x64xi32, #tpu.memory_space<vmem>> -> memref<64xi32, #tpu.memory_space<vmem>>
    %dma_wait3A_76 = arith.constant 0 : i32
    %dma_wait3A_77 = arith.constant 0 : i32
    %dma_wait3A_78 = tpu.memref_slice %arg3[%dma_wait3A_76, %dma_wait3A_77] : memref<100000x128xf32, #tpu.memory_space<hbm>> -> memref<100000x128xf32, #tpu.memory_space<hbm>>
    tpu.wait_indirect_dma semaphore(%arg12 : memref<!tpu.dma_semaphore, #tpu.memory_space<semaphore_mem>>) src(%dma_wait3A_78 : memref<100000x128xf32, #tpu.memory_space<hbm>>) dst(%arg8 : memref<64x128xf32, #tpu.memory_space<vmem>>)
    %scan3A_79 = arith.constant 0 : i32
    %scan3A_80 = arith.constant 0 : i32
    %scan3A_81 = arith.constant 64 : i32
    %scan3A_82 = arith.addi %scan3A_80, %scan3A_81 : i32
    %scan3A_83 = arith.constant 1 : i32
    scf.for %scan3A_134 = %scan3A_80 to %scan3A_82 step %scan3A_83  : i32 {
      %get3A = arith.index_cast %scan3A_134 : i32 to index
      %get3A_135 = arith.constant 0 : index
      %get3A_136 = tpu.vector_load %arg8[%get3A, %get3A_135] {strides = array<i32>} : memref<64x128xf32, #tpu.memory_space<vmem>>, vector<1x16xf32>,
      %get3A_137 = vector.shape_cast %get3A_136 : vector<1x16xf32> to vector<16xf32>
      %mul3A_138 = arith.constant 11.3137083 : f32
      %mul3A_139 = vector.broadcast %mul3A_138 : f32 to vector<16xf32>
      %mul3A_140 = arith.mulf %get3A_137, %mul3A_139 : vector<16xf32>
      %swap3A = arith.index_cast %scan3A_134 : i32 to index
      %swap3A_141 = arith.constant 0 : index
      %swap3A_142 = tpu.vector_load %arg8[%swap3A, %swap3A_141] {strides = array<i32>} : memref<64x128xf32, #tpu.memory_space<vmem>>, vector<1x16xf32>,
      %swap3A_143 = vector.shape_cast %swap3A_142 : vector<1x16xf32> to vector<16xf32>
      %swap3A_144 = vector.shape_cast %mul3A_140 : vector<16xf32> to vector<1x16xf32>
      tpu.vector_store %arg8[%swap3A, %swap3A_141], %swap3A_144 {strides = array<i32>} : memref<64x128xf32, #tpu.memory_space<vmem>>, vector<1x16xf32>,
      %get3A_145 = arith.index_cast %scan3A_134 : i32 to index
      %get3A_146 = arith.constant 16 : index
      %get3A_147 = tpu.vector_load %arg8[%get3A_145, %get3A_146] {strides = array<i32>} : memref<64x128xf32, #tpu.memory_space<vmem>>, vector<1x16xf32>,
      %get3A_148 = vector.shape_cast %get3A_147 : vector<1x16xf32> to vector<16xf32>
      %mul3A_149 = arith.constant 11.3137083 : f32
      %mul3A_150 = vector.broadcast %mul3A_149 : f32 to vector<16xf32>
      %mul3A_151 = arith.mulf %get3A_148, %mul3A_150 : vector<16xf32>
      %swap3A_152 = arith.index_cast %scan3A_134 : i32 to index
      %swap3A_153 = arith.constant 16 : index
      %swap3A_154 = tpu.vector_load %arg8[%swap3A_152, %swap3A_153] {strides = array<i32>} : memref<64x128xf32, #tpu.memory_space<vmem>>, vector<1x16xf32>,
      %swap3A_155 = vector.shape_cast %swap3A_154 : vector<1x16xf32> to vector<16xf32>
      %swap3A_156 = vector.shape_cast %mul3A_151 : vector<16xf32> to vector<1x16xf32>
      tpu.vector_store %arg8[%swap3A_152, %swap3A_153], %swap3A_156 {strides = array<i32>} : memref<64x128xf32, #tpu.memory_space<vmem>>, vector<1x16xf32>,
      %get3A_157 = arith.index_cast %scan3A_134 : i32 to index
      %get3A_158 = arith.constant 32 : index
      %get3A_159 = tpu.vector_load %arg8[%get3A_157, %get3A_158] {strides = array<i32>} : memref<64x128xf32, #tpu.memory_space<vmem>>, vector<1x16xf32>,
      %get3A_160 = vector.shape_cast %get3A_159 : vector<1x16xf32> to vector<16xf32>
      %mul3A_161 = arith.constant 11.3137083 : f32
      %mul3A_162 = vector.broadcast %mul3A_161 : f32 to vector<16xf32>
      %mul3A_163 = arith.mulf %get3A_160, %mul3A_162 : vector<16xf32>
      %swap3A_164 = arith.index_cast %scan3A_134 : i32 to index
      %swap3A_165 = arith.constant 32 : index
      %swap3A_166 = tpu.vector_load %arg8[%swap3A_164, %swap3A_165] {strides = array<i32>} : memref<64x128xf32, #tpu.memory_space<vmem>>, vector<1x16xf32>,
      %swap3A_167 = vector.shape_cast %swap3A_166 : vector<1x16xf32> to vector<16xf32>
      %swap3A_168 = vector.shape_cast %mul3A_163 : vector<16xf32> to vector<1x16xf32>
      tpu.vector_store %arg8[%swap3A_164, %swap3A_165], %swap3A_168 {strides = array<i32>} : memref<64x128xf32, #tpu.memory_space<vmem>>, vector<1x16xf32>,
      %get3A_169 = arith.index_cast %scan3A_134 : i32 to index
      %get3A_170 = arith.constant 48 : index
      %get3A_171 = tpu.vector_load %arg8[%get3A_169, %get3A_170] {strides = array<i32>} : memref<64x128xf32, #tpu.memory_space<vmem>>, vector<1x16xf32>,
      %get3A_172 = vector.shape_cast %get3A_171 : vector<1x16xf32> to vector<16xf32>
      %mul3A_173 = arith.constant 11.3137083 : f32
      %mul3A_174 = vector.broadcast %mul3A_173 : f32 to vector<16xf32>
      %mul3A_175 = arith.mulf %get3A_172, %mul3A_174 : vector<16xf32>
      %swap3A_176 = arith.index_cast %scan3A_134 : i32 to index
      %swap3A_177 = arith.constant 48 : index
      %swap3A_178 = tpu.vector_load %arg8[%swap3A_176, %swap3A_177] {strides = array<i32>} : memref<64x128xf32, #tpu.memory_space<vmem>>, vector<1x16xf32>,
      %swap3A_179 = vector.shape_cast %swap3A_178 : vector<1x16xf32> to vector<16xf32>
      %swap3A_180 = vector.shape_cast %mul3A_175 : vector<16xf32> to vector<1x16xf32>
      tpu.vector_store %arg8[%swap3A_176, %swap3A_177], %swap3A_180 {strides = array<i32>} : memref<64x128xf32, #tpu.memory_space<vmem>>, vector<1x16xf32>,
      %get3A_181 = arith.index_cast %scan3A_134 : i32 to index
      %get3A_182 = arith.constant 64 : index
      %get3A_183 = tpu.vector_load %arg8[%get3A_181, %get3A_182] {strides = array<i32>} : memref<64x128xf32, #tpu.memory_space<vmem>>, vector<1x16xf32>,
      %get3A_184 = vector.shape_cast %get3A_183 : vector<1x16xf32> to vector<16xf32>
      %mul3A_185 = arith.constant 11.3137083 : f32
      %mul3A_186 = vector.broadcast %mul3A_185 : f32 to vector<16xf32>
      %mul3A_187 = arith.mulf %get3A_184, %mul3A_186 : vector<16xf32>
      %swap3A_188 = arith.index_cast %scan3A_134 : i32 to index
      %swap3A_189 = arith.constant 64 : index
      %swap3A_190 = tpu.vector_load %arg8[%swap3A_188, %swap3A_189] {strides = array<i32>} : memref<64x128xf32, #tpu.memory_space<vmem>>, vector<1x16xf32>,
      %swap3A_191 = vector.shape_cast %swap3A_190 : vector<1x16xf32> to vector<16xf32>
      %swap3A_192 = vector.shape_cast %mul3A_187 : vector<16xf32> to vector<1x16xf32>
      tpu.vector_store %arg8[%swap3A_188, %swap3A_189], %swap3A_192 {strides = array<i32>} : memref<64x128xf32, #tpu.memory_space<vmem>>, vector<1x16xf32>,
      %get3A_193 = arith.index_cast %scan3A_134 : i32 to index
      %get3A_194 = arith.constant 80 : index
      %get3A_195 = tpu.vector_load %arg8[%get3A_193, %get3A_194] {strides = array<i32>} : memref<64x128xf32, #tpu.memory_space<vmem>>, vector<1x16xf32>,
      %get3A_196 = vector.shape_cast %get3A_195 : vector<1x16xf32> to vector<16xf32>
      %mul3A_197 = arith.constant 11.3137083 : f32
      %mul3A_198 = vector.broadcast %mul3A_197 : f32 to vector<16xf32>
      %mul3A_199 = arith.mulf %get3A_196, %mul3A_198 : vector<16xf32>
      %swap3A_200 = arith.index_cast %scan3A_134 : i32 to index
      %swap3A_201 = arith.constant 80 : index
      %swap3A_202 = tpu.vector_load %arg8[%swap3A_200, %swap3A_201] {strides = array<i32>} : memref<64x128xf32, #tpu.memory_space<vmem>>, vector<1x16xf32>,
      %swap3A_203 = vector.shape_cast %swap3A_202 : vector<1x16xf32> to vector<16xf32>
      %swap3A_204 = vector.shape_cast %mul3A_199 : vector<16xf32> to vector<1x16xf32>
      tpu.vector_store %arg8[%swap3A_200, %swap3A_201], %swap3A_204 {strides = array<i32>} : memref<64x128xf32, #tpu.memory_space<vmem>>, vector<1x16xf32>,
      %get3A_205 = arith.index_cast %scan3A_134 : i32 to index
      %get3A_206 = arith.constant 96 : index
      %get3A_207 = tpu.vector_load %arg8[%get3A_205, %get3A_206] {strides = array<i32>} : memref<64x128xf32, #tpu.memory_space<vmem>>, vector<1x16xf32>,
      %get3A_208 = vector.shape_cast %get3A_207 : vector<1x16xf32> to vector<16xf32>
      %mul3A_209 = arith.constant 11.3137083 : f32
      %mul3A_210 = vector.broadcast %mul3A_209 : f32 to vector<16xf32>
      %mul3A_211 = arith.mulf %get3A_208, %mul3A_210 : vector<16xf32>
      %swap3A_212 = arith.index_cast %scan3A_134 : i32 to index
      %swap3A_213 = arith.constant 96 : index
      %swap3A_214 = tpu.vector_load %arg8[%swap3A_212, %swap3A_213] {strides = array<i32>} : memref<64x128xf32, #tpu.memory_space<vmem>>, vector<1x16xf32>,
      %swap3A_215 = vector.shape_cast %swap3A_214 : vector<1x16xf32> to vector<16xf32>
      %swap3A_216 = vector.shape_cast %mul3A_211 : vector<16xf32> to vector<1x16xf32>
      tpu.vector_store %arg8[%swap3A_212, %swap3A_213], %swap3A_216 {strides = array<i32>} : memref<64x128xf32, #tpu.memory_space<vmem>>, vector<1x16xf32>,
      %get3A_217 = arith.index_cast %scan3A_134 : i32 to index
      %get3A_218 = arith.constant 112 : index
      %get3A_219 = tpu.vector_load %arg8[%get3A_217, %get3A_218] {strides = array<i32>} : memref<64x128xf32, #tpu.memory_space<vmem>>, vector<1x16xf32>,
      %get3A_220 = vector.shape_cast %get3A_219 : vector<1x16xf32> to vector<16xf32>
      %mul3A_221 = arith.constant 11.3137083 : f32
      %mul3A_222 = vector.broadcast %mul3A_221 : f32 to vector<16xf32>
      %mul3A_223 = arith.mulf %get3A_220, %mul3A_222 : vector<16xf32>
      %swap3A_224 = arith.index_cast %scan3A_134 : i32 to index
      %swap3A_225 = arith.constant 112 : index
      %swap3A_226 = tpu.vector_load %arg8[%swap3A_224, %swap3A_225] {strides = array<i32>} : memref<64x128xf32, #tpu.memory_space<vmem>>, vector<1x16xf32>,
      %swap3A_227 = vector.shape_cast %swap3A_226 : vector<1x16xf32> to vector<16xf32>
      %swap3A_228 = vector.shape_cast %mul3A_223 : vector<16xf32> to vector<1x16xf32>
      tpu.vector_store %arg8[%swap3A_224, %swap3A_225], %swap3A_228 {strides = array<i32>} : memref<64x128xf32, #tpu.memory_space<vmem>>, vector<1x16xf32>,
    }
    %scan3A_84 = arith.constant 64 : i32
    %add3A_85 = arith.constant 25472 : i32
    %add3A_86 = arith.addi %mul3A_2, %add3A_85 : i32
    %dma_start3A_87 = arith.constant 0 : i32
    %dma_start3A_88 = tpu.memref_slice %arg4[%add3A_86, %dma_start3A_87] : memref<819200x128xf32, #tpu.memory_space<hbm>> -> memref<64x128xf32, #tpu.memory_space<hbm>>
    %dma_start3A_89 = arith.constant 0 : i32
    %dma_start3A_90 = tpu.memref_slice %arg4[%add3A_86, %dma_start3A_89] : memref<819200x128xf32, #tpu.memory_space<hbm>> -> memref<64x128xf32, #tpu.memory_space<hbm>>
    tpu.enqueue_dma source(%arg8 : memref<64x128xf32, #tpu.memory_space<vmem>>) target(%dma_start3A_90 : memref<64x128xf32, #tpu.memory_space<hbm>>) target_semaphore(%arg16 : memref<!tpu.dma_semaphore, #tpu.memory_space<semaphore_mem>>)
    %dma_wait3A_91 = arith.constant 399 : i32
    %dma_wait3A_92 = arith.constant 0 : i32
    %dma_wait3A_93 = tpu.memref_slice %arg5[%dma_wait3A_91, %dma_wait3A_92] : memref<400x64xi32, #tpu.memory_space<vmem>> -> memref<1x64xi32, #tpu.memory_space<vmem>>
    %dma_wait3A_94 = tpu.memref_squeeze %dma_wait3A_93 : memref<1x64xi32, #tpu.memory_space<vmem>> -> memref<64xi32, #tpu.memory_space<vmem>>
    %dma_wait3A_95 = arith.constant 0 : i32
    %dma_wait3A_96 = arith.constant 0 : i32
    %dma_wait3A_97 = tpu.memref_slice %arg3[%dma_wait3A_95, %dma_wait3A_96] : memref<100000x128xf32, #tpu.memory_space<hbm>> -> memref<100000x128xf32, #tpu.memory_space<hbm>>
    tpu.wait_indirect_dma semaphore(%arg13 : memref<!tpu.dma_semaphore, #tpu.memory_space<semaphore_mem>>) src(%dma_wait3A_97 : memref<100000x128xf32, #tpu.memory_space<hbm>>) dst(%arg9 : memref<64x128xf32, #tpu.memory_space<vmem>>)
    %scan3A_98 = arith.constant 0 : i32
    %scan3A_99 = arith.constant 0 : i32
    %scan3A_100 = arith.constant 64 : i32
    %scan3A_101 = arith.addi %scan3A_99, %scan3A_100 : i32
    %scan3A_102 = arith.constant 1 : i32
    scf.for %scan3A_134 = %scan3A_99 to %scan3A_101 step %scan3A_102  : i32 {
      %get3A = arith.index_cast %scan3A_134 : i32 to index
      %get3A_135 = arith.constant 0 : index
      %get3A_136 = tpu.vector_load %arg9[%get3A, %get3A_135] {strides = array<i32>} : memref<64x128xf32, #tpu.memory_space<vmem>>, vector<1x16xf32>,
      %get3A_137 = vector.shape_cast %get3A_136 : vector<1x16xf32> to vector<16xf32>
      %mul3A_138 = arith.constant 11.3137083 : f32
      %mul3A_139 = vector.broadcast %mul3A_138 : f32 to vector<16xf32>
      %mul3A_140 = arith.mulf %get3A_137, %mul3A_139 : vector<16xf32>
      %swap3A = arith.index_cast %scan3A_134 : i32 to index
      %swap3A_141 = arith.constant 0 : index
      %swap3A_142 = tpu.vector_load %arg9[%swap3A, %swap3A_141] {strides = array<i32>} : memref<64x128xf32, #tpu.memory_space<vmem>>, vector<1x16xf32>,
      %swap3A_143 = vector.shape_cast %swap3A_142 : vector<1x16xf32> to vector<16xf32>
      %swap3A_144 = vector.shape_cast %mul3A_140 : vector<16xf32> to vector<1x16xf32>
      tpu.vector_store %arg9[%swap3A, %swap3A_141], %swap3A_144 {strides = array<i32>} : memref<64x128xf32, #tpu.memory_space<vmem>>, vector<1x16xf32>,
      %get3A_145 = arith.index_cast %scan3A_134 : i32 to index
      %get3A_146 = arith.constant 16 : index
      %get3A_147 = tpu.vector_load %arg9[%get3A_145, %get3A_146] {strides = array<i32>} : memref<64x128xf32, #tpu.memory_space<vmem>>, vector<1x16xf32>,
      %get3A_148 = vector.shape_cast %get3A_147 : vector<1x16xf32> to vector<16xf32>
      %mul3A_149 = arith.constant 11.3137083 : f32
      %mul3A_150 = vector.broadcast %mul3A_149 : f32 to vector<16xf32>
      %mul3A_151 = arith.mulf %get3A_148, %mul3A_150 : vector<16xf32>
      %swap3A_152 = arith.index_cast %scan3A_134 : i32 to index
      %swap3A_153 = arith.constant 16 : index
      %swap3A_154 = tpu.vector_load %arg9[%swap3A_152, %swap3A_153] {strides = array<i32>} : memref<64x128xf32, #tpu.memory_space<vmem>>, vector<1x16xf32>,
      %swap3A_155 = vector.shape_cast %swap3A_154 : vector<1x16xf32> to vector<16xf32>
      %swap3A_156 = vector.shape_cast %mul3A_151 : vector<16xf32> to vector<1x16xf32>
      tpu.vector_store %arg9[%swap3A_152, %swap3A_153], %swap3A_156 {strides = array<i32>} : memref<64x128xf32, #tpu.memory_space<vmem>>, vector<1x16xf32>,
      %get3A_157 = arith.index_cast %scan3A_134 : i32 to index
      %get3A_158 = arith.constant 32 : index
      %get3A_159 = tpu.vector_load %arg9[%get3A_157, %get3A_158] {strides = array<i32>} : memref<64x128xf32, #tpu.memory_space<vmem>>, vector<1x16xf32>,
      %get3A_160 = vector.shape_cast %get3A_159 : vector<1x16xf32> to vector<16xf32>
      %mul3A_161 = arith.constant 11.3137083 : f32
      %mul3A_162 = vector.broadcast %mul3A_161 : f32 to vector<16xf32>
      %mul3A_163 = arith.mulf %get3A_160, %mul3A_162 : vector<16xf32>
      %swap3A_164 = arith.index_cast %scan3A_134 : i32 to index
      %swap3A_165 = arith.constant 32 : index
      %swap3A_166 = tpu.vector_load %arg9[%swap3A_164, %swap3A_165] {strides = array<i32>} : memref<64x128xf32, #tpu.memory_space<vmem>>, vector<1x16xf32>,
      %swap3A_167 = vector.shape_cast %swap3A_166 : vector<1x16xf32> to vector<16xf32>
      %swap3A_168 = vector.shape_cast %mul3A_163 : vector<16xf32> to vector<1x16xf32>
      tpu.vector_store %arg9[%swap3A_164, %swap3A_165], %swap3A_168 {strides = array<i32>} : memref<64x128xf32, #tpu.memory_space<vmem>>, vector<1x16xf32>,
      %get3A_169 = arith.index_cast %scan3A_134 : i32 to index
      %get3A_170 = arith.constant 48 : index
      %get3A_171 = tpu.vector_load %arg9[%get3A_169, %get3A_170] {strides = array<i32>} : memref<64x128xf32, #tpu.memory_space<vmem>>, vector<1x16xf32>,
      %get3A_172 = vector.shape_cast %get3A_171 : vector<1x16xf32> to vector<16xf32>
      %mul3A_173 = arith.constant 11.3137083 : f32
      %mul3A_174 = vector.broadcast %mul3A_173 : f32 to vector<16xf32>
      %mul3A_175 = arith.mulf %get3A_172, %mul3A_174 : vector<16xf32>
      %swap3A_176 = arith.index_cast %scan3A_134 : i32 to index
      %swap3A_177 = arith.constant 48 : index
      %swap3A_178 = tpu.vector_load %arg9[%swap3A_176, %swap3A_177] {strides = array<i32>} : memref<64x128xf32, #tpu.memory_space<vmem>>, vector<1x16xf32>,
      %swap3A_179 = vector.shape_cast %swap3A_178 : vector<1x16xf32> to vector<16xf32>
      %swap3A_180 = vector.shape_cast %mul3A_175 : vector<16xf32> to vector<1x16xf32>
      tpu.vector_store %arg9[%swap3A_176, %swap3A_177], %swap3A_180 {strides = array<i32>} : memref<64x128xf32, #tpu.memory_space<vmem>>, vector<1x16xf32>,
      %get3A_181 = arith.index_cast %scan3A_134 : i32 to index
      %get3A_182 = arith.constant 64 : index
      %get3A_183 = tpu.vector_load %arg9[%get3A_181, %get3A_182] {strides = array<i32>} : memref<64x128xf32, #tpu.memory_space<vmem>>, vector<1x16xf32>,
      %get3A_184 = vector.shape_cast %get3A_183 : vector<1x16xf32> to vector<16xf32>
      %mul3A_185 = arith.constant 11.3137083 : f32
      %mul3A_186 = vector.broadcast %mul3A_185 : f32 to vector<16xf32>
      %mul3A_187 = arith.mulf %get3A_184, %mul3A_186 : vector<16xf32>
      %swap3A_188 = arith.index_cast %scan3A_134 : i32 to index
      %swap3A_189 = arith.constant 64 : index
      %swap3A_190 = tpu.vector_load %arg9[%swap3A_188, %swap3A_189] {strides = array<i32>} : memref<64x128xf32, #tpu.memory_space<vmem>>, vector<1x16xf32>,
      %swap3A_191 = vector.shape_cast %swap3A_190 : vector<1x16xf32> to vector<16xf32>
      %swap3A_192 = vector.shape_cast %mul3A_187 : vector<16xf32> to vector<1x16xf32>
      tpu.vector_store %arg9[%swap3A_188, %swap3A_189], %swap3A_192 {strides = array<i32>} : memref<64x128xf32, #tpu.memory_space<vmem>>, vector<1x16xf32>,
      %get3A_193 = arith.index_cast %scan3A_134 : i32 to index
      %get3A_194 = arith.constant 80 : index
      %get3A_195 = tpu.vector_load %arg9[%get3A_193, %get3A_194] {strides = array<i32>} : memref<64x128xf32, #tpu.memory_space<vmem>>, vector<1x16xf32>,
      %get3A_196 = vector.shape_cast %get3A_195 : vector<1x16xf32> to vector<16xf32>
      %mul3A_197 = arith.constant 11.3137083 : f32
      %mul3A_198 = vector.broadcast %mul3A_197 : f32 to vector<16xf32>
      %mul3A_199 = arith.mulf %get3A_196, %mul3A_198 : vector<16xf32>
      %swap3A_200 = arith.index_cast %scan3A_134 : i32 to index
      %swap3A_201 = arith.constant 80 : index
      %swap3A_202 = tpu.vector_load %arg9[%swap3A_200, %swap3A_201] {strides = array<i32>} : memref<64x128xf32, #tpu.memory_space<vmem>>, vector<1x16xf32>,
      %swap3A_203 = vector.shape_cast %swap3A_202 : vector<1x16xf32> to vector<16xf32>
      %swap3A_204 = vector.shape_cast %mul3A_199 : vector<16xf32> to vector<1x16xf32>
      tpu.vector_store %arg9[%swap3A_200, %swap3A_201], %swap3A_204 {strides = array<i32>} : memref<64x128xf32, #tpu.memory_space<vmem>>, vector<1x16xf32>,
      %get3A_205 = arith.index_cast %scan3A_134 : i32 to index
      %get3A_206 = arith.constant 96 : index
      %get3A_207 = tpu.vector_load %arg9[%get3A_205, %get3A_206] {strides = array<i32>} : memref<64x128xf32, #tpu.memory_space<vmem>>, vector<1x16xf32>,
      %get3A_208 = vector.shape_cast %get3A_207 : vector<1x16xf32> to vector<16xf32>
      %mul3A_209 = arith.constant 11.3137083 : f32
      %mul3A_210 = vector.broadcast %mul3A_209 : f32 to vector<16xf32>
      %mul3A_211 = arith.mulf %get3A_208, %mul3A_210 : vector<16xf32>
      %swap3A_212 = arith.index_cast %scan3A_134 : i32 to index
      %swap3A_213 = arith.constant 96 : index
      %swap3A_214 = tpu.vector_load %arg9[%swap3A_212, %swap3A_213] {strides = array<i32>} : memref<64x128xf32, #tpu.memory_space<vmem>>, vector<1x16xf32>,
      %swap3A_215 = vector.shape_cast %swap3A_214 : vector<1x16xf32> to vector<16xf32>
      %swap3A_216 = vector.shape_cast %mul3A_211 : vector<16xf32> to vector<1x16xf32>
      tpu.vector_store %arg9[%swap3A_212, %swap3A_213], %swap3A_216 {strides = array<i32>} : memref<64x128xf32, #tpu.memory_space<vmem>>, vector<1x16xf32>,
      %get3A_217 = arith.index_cast %scan3A_134 : i32 to index
      %get3A_218 = arith.constant 112 : index
      %get3A_219 = tpu.vector_load %arg9[%get3A_217, %get3A_218] {strides = array<i32>} : memref<64x128xf32, #tpu.memory_space<vmem>>, vector<1x16xf32>,
      %get3A_220 = vector.shape_cast %get3A_219 : vector<1x16xf32> to vector<16xf32>
      %mul3A_221 = arith.constant 11.3137083 : f32
      %mul3A_222 = vector.broadcast %mul3A_221 : f32 to vector<16xf32>
      %mul3A_223 = arith.mulf %get3A_220, %mul3A_222 : vector<16xf32>
      %swap3A_224 = arith.index_cast %scan3A_134 : i32 to index
      %swap3A_225 = arith.constant 112 : index
      %swap3A_226 = tpu.vector_load %arg9[%swap3A_224, %swap3A_225] {strides = array<i32>} : memref<64x128xf32, #tpu.memory_space<vmem>>, vector<1x16xf32>,
      %swap3A_227 = vector.shape_cast %swap3A_226 : vector<1x16xf32> to vector<16xf32>
      %swap3A_228 = vector.shape_cast %mul3A_223 : vector<16xf32> to vector<1x16xf32>
      tpu.vector_store %arg9[%swap3A_224, %swap3A_225], %swap3A_228 {strides = array<i32>} : memref<64x128xf32, #tpu.memory_space<vmem>>, vector<1x16xf32>,
    }
    %scan3A_103 = arith.constant 64 : i32
    %add3A_104 = arith.constant 25536 : i32
    %add3A_105 = arith.addi %mul3A_2, %add3A_104 : i32
    %dma_start3A_106 = arith.constant 0 : i32
    %dma_start3A_107 = tpu.memref_slice %arg4[%add3A_105, %dma_start3A_106] : memref<819200x128xf32, #tpu.memory_space<hbm>> -> memref<64x128xf32, #tpu.memory_space<hbm>>
    %dma_start3A_108 = arith.constant 0 : i32
    %dma_start3A_109 = tpu.memref_slice %arg4[%add3A_105, %dma_start3A_108] : memref<819200x128xf32, #tpu.memory_space<hbm>> -> memref<64x128xf32, #tpu.memory_space<hbm>>
    tpu.enqueue_dma source(%arg9 : memref<64x128xf32, #tpu.memory_space<vmem>>) target(%dma_start3A_109 : memref<64x128xf32, #tpu.memory_space<hbm>>) target_semaphore(%arg17 : memref<!tpu.dma_semaphore, #tpu.memory_space<semaphore_mem>>)
    %add3A_110 = arith.constant 25344 : i32
    %add3A_111 = arith.addi %mul3A_2, %add3A_110 : i32
    %dma_wait3A_112 = arith.constant 0 : i32
    %dma_wait3A_113 = tpu.memref_slice %arg4[%add3A_111, %dma_wait3A_112] : memref<819200x128xf32, #tpu.memory_space<hbm>> -> memref<64x128xf32, #tpu.memory_space<hbm>>
    %dma_wait3A_114 = arith.constant 0 : i32
    %dma_wait3A_115 = tpu.memref_slice %arg4[%add3A_111, %dma_wait3A_114] : memref<819200x128xf32, #tpu.memory_space<hbm>> -> memref<64x128xf32, #tpu.memory_space<hbm>>
    tpu.wait_dma2 semaphore(%arg14 : memref<!tpu.dma_semaphore, #tpu.memory_space<semaphore_mem>>) src(%arg6 : memref<64x128xf32, #tpu.memory_space<vmem>>) dst(%dma_wait3A_115 : memref<64x128xf32, #tpu.memory_space<hbm>>)
    %add3A_116 = arith.constant 25408 : i32
    %add3A_117 = arith.addi %mul3A_2, %add3A_116 : i32
    %dma_wait3A_118 = arith.constant 0 : i32
    %dma_wait3A_119 = tpu.memref_slice %arg4[%add3A_117, %dma_wait3A_118] : memref<819200x128xf32, #tpu.memory_space<hbm>> -> memref<64x128xf32, #tpu.memory_space<hbm>>
    %dma_wait3A_120 = arith.constant 0 : i32
    %dma_wait3A_121 = tpu.memref_slice %arg4[%add3A_117, %dma_wait3A_120] : memref<819200x128xf32, #tpu.memory_space<hbm>> -> memref<64x128xf32, #tpu.memory_space<hbm>>
    tpu.wait_dma2 semaphore(%arg15 : memref<!tpu.dma_semaphore, #tpu.memory_space<semaphore_mem>>) src(%arg7 : memref<64x128xf32, #tpu.memory_space<vmem>>) dst(%dma_wait3A_121 : memref<64x128xf32, #tpu.memory_space<hbm>>)
    %add3A_122 = arith.constant 25472 : i32
    %add3A_123 = arith.addi %mul3A_2, %add3A_122 : i32
    %dma_wait3A_124 = arith.constant 0 : i32
    %dma_wait3A_125 = tpu.memref_slice %arg4[%add3A_123, %dma_wait3A_124] : memref<819200x128xf32, #tpu.memory_space<hbm>> -> memref<64x128xf32, #tpu.memory_space<hbm>>
    %dma_wait3A_126 = arith.constant 0 : i32
    %dma_wait3A_127 = tpu.memref_slice %arg4[%add3A_123, %dma_wait3A_126] : memref<819200x128xf32, #tpu.memory_space<hbm>> -> memref<64x128xf32, #tpu.memory_space<hbm>>
    tpu.wait_dma2 semaphore(%arg16 : memref<!tpu.dma_semaphore, #tpu.memory_space<semaphore_mem>>) src(%arg8 : memref<64x128xf32, #tpu.memory_space<vmem>>) dst(%dma_wait3A_127 : memref<64x128xf32, #tpu.memory_space<hbm>>)
    %add3A_128 = arith.constant 25536 : i32
    %add3A_129 = arith.addi %mul3A_2, %add3A_128 : i32
    %dma_wait3A_130 = arith.constant 0 : i32
    %dma_wait3A_131 = tpu.memref_slice %arg4[%add3A_129, %dma_wait3A_130] : memref<819200x128xf32, #tpu.memory_space<hbm>> -> memref<64x128xf32, #tpu.memory_space<hbm>>
    %dma_wait3A_132 = arith.constant 0 : i32
    %dma_wait3A_133 = tpu.memref_slice %arg4[%add3A_129, %dma_wait3A_132] : memref<819200x128xf32, #tpu.memory_space<hbm>> -> memref<64x128xf32, #tpu.memory_space<hbm>>
    tpu.wait_dma2 semaphore(%arg17 : memref<!tpu.dma_semaphore, #tpu.memory_space<semaphore_mem>>) src(%arg9 : memref<64x128xf32, #tpu.memory_space<vmem>>) dst(%dma_wait3A_133 : memref<64x128xf32, #tpu.memory_space<hbm>>)
    return
  }
}

</mosaic_0001>

<sc_bundles>
// kernel: kernel.3.cloned.1.call-start
scs
__scs_entry_jumppad:
0x0: {  	(pc) =	sbr.rel $0x88, $3  }
0x1: {  	(tag) =	ssettag $0x0;
	lr =	simm.s32 $0x1  }
0x2: {  	[smem:$0x3F9F] =	sst lr;
	_ =	strace $0xD0000000  }
0x3: {  	_ = 	snop  }
0x4: {  	_ = 	snop  }
0x5: {  	_ = 	snop  }
0x6: {  	_ = 	snop  }
0x7: {  	_ = 	snop  }
__scs_overlays_trampoline_lowered:
0x8: {  	[smem:$0x3FAE] =	sst s0  }
0x9: {  	[smem:$0x3FAF] =	sst s1  }
0xa: {  	[smem:$0x3FB0] =	sst s2  }
0xb: {  	[smem:$0x3FB1] =	sst s3  }
0xc: {  	[smem:$0x3FB2] =	sst s4  }
0xd: {  	[smem:$0x3FB3] =	sst s5  }
0xe: {  	[smem:$0x3FB4] =	sst s6  }
0xf: {  	[smem:$0x3FB5] =	sst s7  }
0x10: {  	[smem:$0x3FB6] =	sst s8  }
0x11: {  	[smem:$0x3FB7] =	sst s9;
	s0 =	simm.s32 @!p0 $0x0  }
0x12: {  	s1 =	sld [smem:$0x3F9D];
	s0 =	simm.s32 @p0 $0x1  }
0x13: {  	[smem:$0x3FB8] =	sst s0;
	s0 =	simm.s32 @!p1 $0x0  }
0x14: {  	s2 =	sld [smem:$0x3F9C];
	s0 =	simm.s32 @p1 $0x1  }
0x15: {  	[smem:$0x3FB9] =	sst s0;
	s0 =	simm.s32 @!p2 $0x0  }
0x16: {  	s3 =	sld [smem:$0x3FDB];
	s0 =	simm.s32 @p2 $0x1  }
0x17: {  	s4 =	simm.s32 $0x1BF5;
	[smem:$0x3FBB] =	sst s0  }
0x18: {  	s0 =	sld [smem:$0x3F9E];
	_ =	swait.ge [sflag:s4], $0x0  }
0x19: {  	s7 =	sld [smem:$0x3F9F]  }
0x1a: {  	s8 =	sadd.s32 $0xFFFFE003, lr  }
0x1b: {  	s9 =	sadd.s32 $0xFFFFFEF7, lr;
	s5 =	simm.s32 $0xFFFFFFFF;
	p2 =	slt.u32 s8, $0xFFFFF086  }
0x1c: {  	p1 =	slt.u32 s9, $0xF7A;
	s5 =	simm.s32 @!p2 $0x0  }
0x1d: {  	s5 =	simm.s32 @p1 $0x1;
	p0 =	seq.s32 s7, s2  }
0x1e: {  	s7 =	smul.u32 @!p0 $0xF7A, s2;
	p2 =	seq.s32 @!p0 s5, $0x0  }
0x1f: {  	s9 =	smul.u32 $0xF7A, s1;
	s8 =	simm.s32 @!p0 $0x1BF5;
	p2 =	por !p2, p0  }
0x20: {  	[sflag:s8] =	ssyncset.s32 @!p0 $0xFFFFF086;
	s6 =	sadd.s32 @!p0 s3, s7;
	s7 =	simm.s32 @!p0 $0x108  }
0x21: {  	s3 =	sadd.s32 s3, s9;
	s6 =	sadd.s32 @!p0 $0x88, s6;
	s7 =	simm.s32 @p2 $0x1082  }
0x22: {  	[simem:s7], [sflag:s8] =	dma.local @!p0 [hbm:s6], $0xF7A  }
0x23: {  	s9 =	sor.u32 $0xD0000000, s2;
	s6 =	simm.s32 $0x108;
	_ =	swait.ge @!p0 [sflag:s8], $0x0  }
0x24: {  	s3 =	sadd.s32 $0x88, s3;
	s6 =	simm.s32 @!p1 $0x1082;
	[sflag:s4] =	ssyncset.s32 $0xFFFFF086  }
0x25: {  	[simem:s6], [sflag:s4] =	dma.local [hbm:s3], $0xF7A  }
0x26: {  	[smem:$0x3F9F] =	sst s1;
	(tag) =	ssettag s2;
	_ =	strace s9  }
0x27: {  	s1 =	sld [smem:$0x3FAF]  }
0x28: {  	s2 =	sld [smem:$0x3FB0]  }
0x29: {  	s4 =	sld [smem:$0x3FB2]  }
0x2a: {  	p0 =	seq.s32 s5, $0x0;
	s5 =	sld [smem:$0x3FB3]  }
0x2b: {  	s6 =	sld [smem:$0x3FB4]  }
0x2c: {  	s7 =	sld [smem:$0x3FB5]  }
0x2d: {  	s3 =	simm.s32 $0x108;
	s8 =	sld [smem:$0x3FB6]  }
0x2e: {  	s3 =	simm.s32 @!p0 $0x1082;
	s9 =	sld [smem:$0x3FB7]  }
0x2f: {  	lr =	sadd.s32 s0, s3;
	s0 =	sld [smem:$0x3FAE]  }
0x30: {  	s3 =	sld [smem:$0x3FB1]  }
0x31: {  	[smem:$0x3FBA] =	sst s10  }
0x32: {  	s10 =	sld [smem:$0x3FB8];
	_ =	sdelay $0x3  }
0x33: {  	p0 =	seq.s32 s10, $0x1;
	s10 =	sld [smem:$0x3FBA];
	_ =	sdelay $0x3  }
0x34: {  	[smem:$0x3FBA] =	sst s10  }
0x35: {  	s10 =	sld [smem:$0x3FB9];
	_ =	sdelay $0x3  }
0x36: {  	p1 =	seq.s32 s10, $0x1;
	s10 =	sld [smem:$0x3FBA];
	_ =	sdelay $0x3  }
0x37: {  	[smem:$0x3FBA] =	sst s10  }
0x38: {  	s10 =	sld [smem:$0x3FBB]  }
0x39: {  	_ = 	snop;
	(pc) =	sbr.ind lr, $3  }
0x3a: {  	_ = 	snop  }
0x3b: {  	_ = 	snop  }
0x3c: {  	p2 =	seq.s32 s10, $0x1;
	s10 =	sld [smem:$0x3FBA]  }
0x3d: {  	_ =	shalt  }
0x3e: {  	_ =	shalt  }
0x3f: {  	_ =	shalt  }
0x40: {  	_ =	shalt  }
0x41: {  	_ =	shalt  }
0x42: {  	_ =	shalt  }
0x43: {  	_ =	shalt  }
0x44: {  	_ =	shalt  }
0x45: {  	_ =	shalt  }
0x46: {  	_ =	shalt  }
0x47: {  	_ =	shalt  }
0x48: {  	_ =	shalt  }
0x49: {  	_ =	shalt  }
0x4a: {  	_ =	shalt  }
0x4b: {  	_ =	shalt  }
0x4c: {  	_ =	shalt  }
0x4d: {  	_ =	shalt  }
0x4e: {  	_ =	shalt  }
0x4f: {  	_ =	shalt  }
0x50: {  	_ =	shalt  }
0x51: {  	_ =	shalt  }
0x52: {  	_ =	shalt  }
0x53: {  	_ =	shalt  }
0x54: {  	_ =	shalt  }
0x55: {  	_ =	shalt  }
0x56: {  	_ =	shalt  }
0x57: {  	_ =	shalt  }
0x58: {  	_ =	shalt  }
0x59: {  	_ =	shalt  }
0x5a: {  	_ =	shalt  }
0x5b: {  	_ =	shalt  }
0x5c: {  	_ =	shalt  }
0x5d: {  	_ =	shalt  }
0x5e: {  	_ =	shalt  }
0x5f: {  	_ =	shalt  }
0x60: {  	_ =	shalt  }
0x61: {  	_ =	shalt  }
0x62: {  	_ =	shalt  }
0x63: {  	_ =	shalt  }
0x64: {  	_ =	shalt  }
0x65: {  	_ =	shalt  }
0x66: {  	_ =	shalt  }
0x67: {  	_ =	shalt  }
0x68: {  	_ =	shalt  }
0x69: {  	_ =	shalt  }
0x6a: {  	_ =	shalt  }
0x6b: {  	_ =	shalt  }
0x6c: {  	_ =	shalt  }
0x6d: {  	_ =	shalt  }
0x6e: {  	_ =	shalt  }
0x6f: {  	_ =	shalt  }
0x70: {  	_ =	shalt  }
0x71: {  	_ =	shalt  }
0x72: {  	_ =	shalt  }
0x73: {  	_ =	shalt  }
0x74: {  	_ =	shalt  }
0x75: {  	_ =	shalt  }
0x76: {  	_ =	shalt  }
0x77: {  	_ =	shalt  }
0x78: {  	_ =	shalt  }
0x79: {  	_ =	shalt  }
0x7a: {  	_ =	shalt  }
0x7b: {  	_ =	shalt  }
0x7c: {  	_ =	shalt  }
0x7d: {  	_ =	shalt  }
0x7e: {  	_ =	shalt  }
0x7f: {  	_ =	shalt  }
0x80: {  	_ =	shalt  }
0x81: {  	_ =	shalt  }
0x82: {  	_ =	shalt  }
0x83: {  	_ =	shalt  }
0x84: {  	_ =	shalt  }
0x85: {  	_ =	shalt  }
0x86: {  	_ =	shalt  }
0x87: {  	_ =	shalt  }
.Lfunc_end0:
.L_simem_size_0:
called_computation_lowered:
.L_overlay_start_0:
0x88: {  	s2 =	sld [smem:$0x3FD9]  }
0x89: {  	s3 =	sld [smem:$0x3FFE];
	_ =	sdelay $0x1  }
0x8a: {  	s1 =	srdreg.scid  }
0x8b: {  	s0 =	sand.u32 $0x1, s1  }
0x8c: {  	s17 =	sshll.u32 s0, $0xA;
	s2 =	sadd.s32 s3, s2  }
0x8d: {  	s2 =	sadd.s32 s2, s17  }
0x8e: {  	[smem:$0x3FC6] =	sst s2  }
0x8f: {  	_ = 	snop  }
0x90: {  	s2 =	sld [smem:$0x3FC8]  }
0x91: {  	s18 =	sld [smem:$0x3FD0];
	(tm) =	ssettm $0x1  }
0x92: {  	s4 =	sld [smem:$0x3FFB];
	_ =	sdelay $0x3  }
0x93: {  	_ =	strace s4  }
0x94: {  	s4 =	sld [smem:$0x3FFC];
	_ =	sdelay $0x3  }
0x95: {  	_ =	strace s4  }
0x96: {  	s4 =	sld [smem:$0x3FFD];
	_ =	sdelay $0x3  }
0x97: {  	_ =	strace s4  }
0x98: {  	_ =	strace $0x8FFFFFFF  }
0x99: {  	s19 =	sld [smem:$0x3FDB];
	_ =	sdelay $0x1  }
0x9a: {  	s5 =	simm.s32 $_scs_section_size  }
0x9b: {  	s6 =	simm.s32 $_size__tile_overlayer_lowered;
	s7 =	simm.s32 $_tile_overlayer_lowered  }
0x9c: {  	s22 =	simm.s32 $0x1BFF;
	s21 =	sshll.u32 s7, $0x1;
	s4 =	sadd.s32 s5, s19  }
0x9d: {  	s8 =	simm.s32 $0x0;
	s20 =	sshll.u32 s6, $0x1;
	s6 =	sadd.s32 s21, s4  }
0x9e: {  	[timem:s8], [sflag:s22] =	dma.local [hbm:s6], s20  }
0x9f: {  	_ =	swait.ge [sflag:s22], s20  }
0xa0: {  	s5 =	ssub.s32 $0x0, s20;
	[sflag:s22] =	ssyncset.done $0x0  }
0xa1: {  	[sflag:s22] =	ssyncadd.s32 s5;
	_ =	sdelay $0x1  }
0xa2: {  	s23 =	simm.s32 $0x1B8B  }
0xa3: {  	_ =	swait.ge [sflag:s23], $0x1  }
0xa4: {  	[sflag:s23] =	ssyncset.done $0x0  }
0xa5: {  	s25 =	simm.s32 $0x1B8E;
	s24 =	sld [smem:$0x3FFE];
	[sflag:s23] =	ssyncadd.s32 $0xFFFFFFFF  }
0xa6: {  	s26 =	simm.s32 $execute0_lowered;
	[smem:$0x3FD2] =	sst s25  }
0xa7: {  	s6 =	sshll.u32 s26, $0x1;
	_ =	strace $0x80000046;
	[dreg:$0x1] =	wrdreg $0xFFFFFFFF  }
0xa8: {  	s28 =	simm.s32 $_size_execute0_lowered;
	s4 =	sadd.s32 s4, s6;
	[dreg:$0x0] =	wrdreg $0x0  }
0xa9: {  	s6 =	sshll.u32 s28, $0x1;
	[dreg:$0x2] =	wrdreg s4  }
0xaa: {  	[dreg:$0x3] =	wrdreg s6  }
0xab: {  	[dreg:$0x4] =	wrdreg $0xC0  }
0xac: {  	_ =	task [dreg:s8], $0x5FFFF  }
0xad: {  	[dreg:$0x1] =	wrdreg $0xFFFFFFFF  }
0xae: {  	[dreg:$0x0] =	wrdreg $0x60  }
0xaf: {  	[dreg:$0x2] =	wrdreg s24  }
0xb0: {  	[dreg:$0x3] =	wrdreg s2  }
0xb1: {  	[dreg:$0x4] =	wrdreg s18  }
0xb2: {  	[dreg:$0x5] =	wrdreg $0x9  }
0xb3: {  	_ =	task.clear_ibuf [dreg:s8], $0x6FFFF;
	_ =	strace $0x90000046  }
0xb4: {  	s29 =	simm.s32 $0x9;
	_ =	strace $0x80000048  }
0xb5: {  	_ =	swait.ge [sflag:s29], $0x1  }
0xb6: {  	[sflag:s29] =	ssyncadd.s32 $0xFFFFFFFF  }
0xb7: {  	_ =	strace $0x90000048  }
0xb8: {  	_ =	sfence  }
0xb9: {  	s30 =	sld [smem:$0x0];
	_ =	sdelay $0x2  }
0xba: {  	s31 =	sshll.u32 s1, $0xD;
	s1 =	sshrl.u32 s1, $0x2  }
0xbb: {  	s3 =	sand.u32 $0x4000, s31;
	s1 =	sadd.s32 s1, s30  }
0xbc: {  	s0 =	sor.u32 s3, s0;
	s1 =	sshll.u32 s1, $0x11  }
0xbd: {  	s0 =	sor.u32 s1, s0  }
0xbe: {  	s0 =	sadd.s32 $0x8F2B, s0  }
0xbf: {  	[sflag:s0] =	ssyncadd.remote.s32 $0x1  }
0xc0: {  	_ =	sfence.sel $0xFFFF  }
0xc1: {  	[dreg:$0x0] =	wrdreg $0xFFFFFFFF;
	(pc) =	sbr.abs _section_cstart, $3  }
0xc2: {  	[dreg:$0x1] =	wrdreg $0xFFFFFFFF  }
0xc3: {  	_ =	task.clear_ibuf [dreg:s8], $0x2FFFF;
	_ =	strace $0x9FFFFFFF  }
0xc4: {  	(tm) =	ssettm $0x7FFFFFFF  }
0xc5: {  	_ =	shalt  }
tec
execute0_lowered:
.L_overlay_start_1:
0x0: {  	(tag) =	ssettag $0x1  }
0x1: {  	s0 =	rddreg [dreg:$0x0]  }
0x2: {  	s2 =	rddreg [dreg:$0x1];
	s1 =	srdreg.scid  }
0x3: {  	s4 =	stileid.u32;
	s3 =	rddreg [dreg:$0x2]  }
0x4: {  	s14 =	simm.s32 $0x9;
	s15 =	simm.s32 $0x40;
	s16 =	simm.s32 $0xC800  }
0x5: {  	s18 =	simm.s32 $0xE800;
	s20 =	simm.s32 $0x10800;
	s21 =	simm.s32 $0x1  }
0x6: {  	s28 =	simm.s32 $0x6;
	s1 =	sand.u32 $0x1, s1;
	s5 =	sshll.u32 s4, $0x1  }
0x7: {  	s29 =	simm.s32 $0x4;
	s30 =	simm.s32 $0x7;
	s6 =	sor.u32 s1, s5  }
0x8: {  	s31 =	simm.s32 $0x8;
	s4 =	simm.s32 $0x0;
	s5 =	smul.u32 $0x1900, s6  }
0x9: {  	[smem:$0x7FF] =	sst s4;
	s1 =	ssub.s32 $0x2, s1;
	s7 =	smul.u32 $0x64000, s6  }
0xa: {  	_ =	strace $0x80000047;
	s8 =	sshrl.u32 s1, $0x1;
	s23 =	smul.u32 $0x6400, s6  }
0xb: {  	s1 =	ssub.s32 s1, s8;
	s0 =	sadd.s32 s5, s0;
	s5 =	smul.u32 $0x320000, s6  }
0xc: {  	s6 =	sadd.s32 s3, s7;
	s9 =	sadd.s32 $0xFFFFFF80, s23;
	s10 =	sadd.s32 $0xFFFFFFC0, s23  }
0xd: {  	s13 =	smax.u32 s1, $0x1;
	s23 =	simm.s32 $0x12800;
	s0 =	sadd.s32 $0x400, s0  }
0xe: {  	s24 =	sadd.s32 $0x400, s6;
	[dreg:$0x4] =	wrdreg s0;
	s25 =	sshrl.u32 s5, $0x3  }
0xf: {  	s1 =	simm.s32 $0x0;
	[dreg:$0x5] =	wrdreg s24;
	s0 =	sadd.s32 s3, s25  }
0x10: {  	s24 =	simm.s32 $0x2;
	s25 =	simm.s32 $0x5;
	s26 =	sadd.s32 $0x63800, s0  }
0x11: {  	s12 =	sadd.s32 $0x63C00, s0;
	[dreg:$0x6] =	wrdreg s26;
	s26 =	simm.s32 $0x3  }
.LBB2_1:
0x12: {  	s0 =	rddreg [dreg:$0x4]  }
0x13: {  	[tilespmem:s4], [sflag:$0x9] =	stream.linear.gather [hbm4b:s0+s4], $0xC800, $0x38;
	[tilespmem:$0x14800] =	vst v63  }
0x14: {  	_ =	swait.ge [sflag:s14], $0xC800  }
0x15: {  	[sflag:s14] =	ssyncset.done $0x0  }
0x16: {  	[sflag:s14] =	ssyncadd.s32 $0xFFFF3800  }
0x17: {  	[tilespmem:s16], [sflag:$0x1] =	stream.indirect.gather [hbm4b:s2+s15], $0x80, s4, s15, $0xb8;
	[tilespmem:$0x14800] =	vst v63  }
0x18: {  	s19 =	simm.s32 $0x80  }
0x19: {  	[tilespmem:s18], [sflag:$0x2] =	stream.indirect.gather [hbm4b:s2+s15], $0x80, s19, s15, $0xb8;
	[tilespmem:$0x14800] =	vst v63  }
0x1a: {  	s22 =	simm.s32 $0x100  }
0x1b: {  	[tilespmem:s20], [sflag:$0x3] =	stream.indirect.gather [hbm4b:s2+s15], $0x80, s22, s15, $0xb8;
	[tilespmem:$0x14800] =	vst v63  }
0x1c: {  	_ =	swait.ge [sflag:s21], $0x2000  }
0x1d: {  	[sflag:s21] =	ssyncset.done $0x0  }
0x1e: {  	s0 =	simm.s32 $0x0;
	[sflag:s21] =	ssyncadd.s32 $0xFFFFE000  }
0x1f: {  	v3 =	vld [tilespmem:s0+$0xC800]  }
0x20: {  	v5 =	vld [tilespmem:s0+$0xC810]  }
0x21: {  	v4 =	vld [tilespmem:s0+$0xC820]  }
0x22: {  	v2 =	vld [tilespmem:s0+$0xC830]  }
0x23: {  	v0 =	vld [tilespmem:s0+$0xC840]  }
0x24: {  	v1 =	vld [tilespmem:s0+$0xC850];
	v6 =	vmul.f32 $1.131370830e+01, v3  }
0x25: {  	s7 =	simm.s32 $0x200;
	v5 =	vmul.f32 $1.131370830e+01, v5;
	v3 =	vld [tilespmem:s0+$0xC860]  }
.LBB2_2:
0x26: {  	s8 =	sshra.s32 s7, $0x2;
	p0 =	sne.s32 s7, $0x7E00;
	[tilespmem:s0+$0xC800] =	vst v6;
	v4 =	vmul.f32 $1.131370830e+01, v4;
	v6 =	vld [tilespmem:s0+$0xC870]  }
0x27: {  	v7 =	vld [tilespmem:s8+$0xC800];
	[tilespmem:s0+$0xC810] =	vst v5;
	v2 =	vmul.f32 $1.131370830e+01, v2  }
0x28: {  	v5 =	vld [tilespmem:s8+$0xC810];
	[tilespmem:s0+$0xC820] =	vst v4;
	v0 =	vmul.f32 $1.131370830e+01, v0  }
.Ltmp0:
0x29: {  	v4 =	vld [tilespmem:s8+$0xC820];
	[tilespmem:s0+$0xC830] =	vst v2;
	v1 =	vmul.f32 $1.131370830e+01, v1;
	(pc) =	sbr.rel @p0 .LBB2_2-.Ltmp0, $4  }
0x2a: {  	v2 =	vld [tilespmem:s8+$0xC830];
	[tilespmem:s0+$0xC840] =	vst v0;
	v3 =	vmul.f32 $1.131370830e+01, v3  }
0x2b: {  	v0 =	vld [tilespmem:s8+$0xC840];
	[tilespmem:s0+$0xC850] =	vst v1;
	v8 =	vmul.f32 $1.131370830e+01, v6  }
0x2c: {  	v6 =	vmul.f32 $1.131370830e+01, v7;
	v1 =	vld [tilespmem:s8+$0xC850];
	[tilespmem:s0+$0xC860] =	vst v3  }
0x2d: {  	s7 =	sadd.s32 $0x200, s7;
	v5 =	vmul.f32 $1.131370830e+01, v5;
	v3 =	vld [tilespmem:s8+$0xC860];
	[tilespmem:s0+$0xC870] =	vst v8;
	s0 =	smov.u32 s8  }
0x2e: {  	[tilespmem:s0+$0xC800] =	vst v6;
	v4 =	vmul.f32 $1.131370830e+01, v4;
	v6 =	vld [tilespmem:s0+$0xC870]  }
0x2f: {  	[tilespmem:s0+$0xC810] =	vst v5;
	v2 =	vmul.f32 $1.131370830e+01, v2  }
0x30: {  	[tilespmem:s0+$0xC820] =	vst v4;
	v0 =	vmul.f32 $1.131370830e+01, v0  }
0x31: {  	[tilespmem:s0+$0xC830] =	vst v2;
	v1 =	vmul.f32 $1.131370830e+01, v1  }
0x32: {  	[tilespmem:s0+$0xC840] =	vst v0;
	v0 =	vmul.f32 $1.131370830e+01, v3  }
0x33: {  	[tilespmem:s0+$0xC850] =	vst v1;
	v1 =	vmul.f32 $1.131370830e+01, v6  }
0x34: {  	[tilespmem:s0+$0xC860] =	vst v0  }
0x35: {  	s19 =	simm.s32 $0x0;
	[tilespmem:s0+$0xC870] =	vst v1  }
0x36: {  	[hbm4b:s6+s19] =	stream.linear.scatter [tilespmem:s16], [sflag:$0x5], $0x2000, $0x38;
	[tilespmem:$0x14800] =	vst v63  }
0x37: {  	s22 =	simm.s32 $0x180  }
0x38: {  	[tilespmem:s23], [sflag:$0x4] =	stream.indirect.gather [hbm4b:s2+s15], $0x80, s22, s15, $0xb8;
	[tilespmem:$0x14800] =	vst v63  }
0x39: {  	_ =	swait.ge [sflag:s24], $0x2000  }
0x3a: {  	[sflag:s24] =	ssyncset.done $0x0  }
0x3b: {  	s0 =	simm.s32 $0x0;
	[sflag:s24] =	ssyncadd.s32 $0xFFFFE000  }
0x3c: {  	v3 =	vld [tilespmem:s0+$0xE800]  }
0x3d: {  	v5 =	vld [tilespmem:s0+$0xE810]  }
0x3e: {  	v4 =	vld [tilespmem:s0+$0xE820]  }
0x3f: {  	v2 =	vld [tilespmem:s0+$0xE830]  }
0x40: {  	v0 =	vld [tilespmem:s0+$0xE840]  }
0x41: {  	v1 =	vld [tilespmem:s0+$0xE850];
	v6 =	vmul.f32 $1.131370830e+01, v3  }
0x42: {  	s7 =	simm.s32 $0x200;
	v5 =	vmul.f32 $1.131370830e+01, v5;
	v3 =	vld [tilespmem:s0+$0xE860]  }
.LBB2_4:
0x43: {  	s8 =	sshra.s32 s7, $0x2;
	p0 =	sne.s32 s7, $0x7E00;
	[tilespmem:s0+$0xE800] =	vst v6;
	v4 =	vmul.f32 $1.131370830e+01, v4;
	v6 =	vld [tilespmem:s0+$0xE870]  }
0x44: {  	v7 =	vld [tilespmem:s8+$0xE800];
	[tilespmem:s0+$0xE810] =	vst v5;
	v2 =	vmul.f32 $1.131370830e+01, v2  }
0x45: {  	v5 =	vld [tilespmem:s8+$0xE810];
	[tilespmem:s0+$0xE820] =	vst v4;
	v0 =	vmul.f32 $1.131370830e+01, v0  }
.Ltmp1:
0x46: {  	v4 =	vld [tilespmem:s8+$0xE820];
	[tilespmem:s0+$0xE830] =	vst v2;
	v1 =	vmul.f32 $1.131370830e+01, v1;
	(pc) =	sbr.rel @p0 .LBB2_4-.Ltmp1, $4  }
0x47: {  	v2 =	vld [tilespmem:s8+$0xE830];
	[tilespmem:s0+$0xE840] =	vst v0;
	v3 =	vmul.f32 $1.131370830e+01, v3  }
0x48: {  	v0 =	vld [tilespmem:s8+$0xE840];
	[tilespmem:s0+$0xE850] =	vst v1;
	v8 =	vmul.f32 $1.131370830e+01, v6  }
0x49: {  	v6 =	vmul.f32 $1.131370830e+01, v7;
	v1 =	vld [tilespmem:s8+$0xE850];
	[tilespmem:s0+$0xE860] =	vst v3  }
0x4a: {  	s7 =	sadd.s32 $0x200, s7;
	v5 =	vmul.f32 $1.131370830e+01, v5;
	v3 =	vld [tilespmem:s8+$0xE860];
	[tilespmem:s0+$0xE870] =	vst v8;
	s0 =	smov.u32 s8  }
0x4b: {  	[tilespmem:s0+$0xE800] =	vst v6;
	v4 =	vmul.f32 $1.131370830e+01, v4;
	v61 =	vld [tilespmem:s0+$0xE870]  }
0x4c: {  	[tilespmem:s0+$0xE810] =	vst v5;
	v2 =	vmul.f32 $1.131370830e+01, v2  }
0x4d: {  	[tilespmem:s0+$0xE820] =	vst v4;
	v0 =	vmul.f32 $1.131370830e+01, v0  }
0x4e: {  	[tilespmem:s0+$0xE830] =	vst v2;
	v1 =	vmul.f32 $1.131370830e+01, v1  }
0x4f: {  	[tilespmem:s0+$0xE840] =	vst v0;
	v62 =	vmul.f32 $1.131370830e+01, v3  }
0x50: {  	[tilespmem:s0+$0xE850] =	vst v1;
	v63 =	vmul.f32 $1.131370830e+01, v61  }
0x51: {  	[tilespmem:s0+$0xE860] =	vst v62  }
0x52: {  	s22 =	rddreg [dreg:$0x5];
	[tilespmem:s0+$0xE870] =	vst v63;
	s0 =	simm.s32 $0x1  }
0x53: {  	[hbm4b:s22+s4] =	stream.linear.scatter [tilespmem:s18], [sflag:$0x6], $0x2000, $0x38;
	[tilespmem:$0x14800] =	vst v63  }
.LBB2_6:
0x54: {  	_ =	swait.ge [sflag:s25], $0x2000  }
0x55: {  	s7 =	sshll.u32 s0, $0x9;
	[sflag:s25] =	ssyncset.done $0x0  }
0x56: {  	s17 =	sand.u32 $0x3FFFFE00, s7;
	[sflag:s25] =	ssyncadd.s32 $0xFFFFE000  }
0x57: {  	[tilespmem:s16], [sflag:$0x1] =	stream.indirect.gather [hbm4b:s2+s15], $0x80, s17, s15, $0xb8;
	[tilespmem:$0x14800] =	vst v63  }
0x58: {  	_ =	swait.ge [sflag:s26], $0x2000  }
0x59: {  	[sflag:s26] =	ssyncset.done $0x0  }
0x5a: {  	s19 =	simm.s32 $0x0;
	[sflag:s26] =	ssyncadd.s32 $0xFFFFE000  }
0x5b: {  	v3 =	vld [tilespmem:s19+$0x10800]  }
0x5c: {  	v5 =	vld [tilespmem:s19+$0x10810]  }
0x5d: {  	v4 =	vld [tilespmem:s19+$0x10820]  }
0x5e: {  	v2 =	vld [tilespmem:s19+$0x10830]  }
0x5f: {  	v0 =	vld [tilespmem:s19+$0x10840]  }
0x60: {  	v1 =	vld [tilespmem:s19+$0x10850];
	v6 =	vmul.f32 $1.131370830e+01, v3  }
0x61: {  	s7 =	simm.s32 $0x200;
	v5 =	vmul.f32 $1.131370830e+01, v5;
	v3 =	vld [tilespmem:s19+$0x10860]  }
.LBB2_7:
0x62: {  	s8 =	sshra.s32 s7, $0x2;
	p0 =	sne.s32 s7, $0x7E00;
	[tilespmem:s19+$0x10800] =	vst v6;
	v4 =	vmul.f32 $1.131370830e+01, v4;
	v6 =	vld [tilespmem:s19+$0x10870]  }
0x63: {  	v7 =	vld [tilespmem:s8+$0x10800];
	[tilespmem:s19+$0x10810] =	vst v5;
	v2 =	vmul.f32 $1.131370830e+01, v2  }
0x64: {  	v5 =	vld [tilespmem:s8+$0x10810];
	[tilespmem:s19+$0x10820] =	vst v4;
	v0 =	vmul.f32 $1.131370830e+01, v0  }
.Ltmp2:
0x65: {  	v4 =	vld [tilespmem:s8+$0x10820];
	[tilespmem:s19+$0x10830] =	vst v2;
	v1 =	vmul.f32 $1.131370830e+01, v1;
	(pc) =	sbr.rel @p0 .LBB2_7-.Ltmp2, $4  }
0x66: {  	v2 =	vld [tilespmem:s8+$0x10830];
	[tilespmem:s19+$0x10840] =	vst v0;
	v3 =	vmul.f32 $1.131370830e+01, v3  }
0x67: {  	v0 =	vld [tilespmem:s8+$0x10840];
	[tilespmem:s19+$0x10850] =	vst v1;
	v8 =	vmul.f32 $1.131370830e+01, v6  }
0x68: {  	v6 =	vmul.f32 $1.131370830e+01, v7;
	v1 =	vld [tilespmem:s8+$0x10850];
	[tilespmem:s19+$0x10860] =	vst v3  }
0x69: {  	s7 =	sadd.s32 $0x200, s7;
	v5 =	vmul.f32 $1.131370830e+01, v5;
	v3 =	vld [tilespmem:s8+$0x10860];
	[tilespmem:s19+$0x10870] =	vst v8;
	s19 =	smov.u32 s8  }
0x6a: {  	[tilespmem:s19+$0x10800] =	vst v6;
	v4 =	vmul.f32 $1.131370830e+01, v4;
	v6 =	vld [tilespmem:s19+$0x10870]  }
0x6b: {  	[tilespmem:s19+$0x10810] =	vst v5;
	v2 =	vmul.f32 $1.131370830e+01, v2  }
0x6c: {  	[tilespmem:s19+$0x10820] =	vst v4;
	v0 =	vmul.f32 $1.131370830e+01, v0  }
0x6d: {  	[tilespmem:s19+$0x10830] =	vst v2;
	v1 =	vmul.f32 $1.131370830e+01, v1  }
0x6e: {  	s22 =	sshll.u32 s0, $0x8;
	[tilespmem:s19+$0x10840] =	vst v0;
	v0 =	vmul.f32 $1.131370830e+01, v3  }
0x6f: {  	s7 =	sadd.s32 s22, s9;
	[tilespmem:s19+$0x10850] =	vst v1;
	v1 =	vmul.f32 $1.131370830e+01, v6  }
0x70: {  	s7 =	sshll.u32 s7, $0x4;
	[tilespmem:s19+$0x10860] =	vst v0  }
0x71: {  	s8 =	sshll.u32 s0, $0x2;
	s11 =	simm.s32 $0x0;
	s7 =	sadd.s32 s3, s7;
	[tilespmem:s19+$0x10870] =	vst v1  }
0x72: {  	[hbm4b:s7+s11] =	stream.linear.scatter [tilespmem:s20], [sflag:$0x7], $0x2000, $0x38;
	[tilespmem:$0x14800] =	vst v63  }
0x73: {  	s19 =	sor.u32 $0x1, s8;
	_ =	swait.ge [sflag:s28], $0x2000  }
0x74: {  	s11 =	sshll.u32 s19, $0x7;
	[sflag:s28] =	ssyncset.done $0x0  }
0x75: {  	s7 =	sand.u32 $0x3FFFFE80, s11;
	[sflag:s28] =	ssyncadd.s32 $0xFFFFE000  }
0x76: {  	[tilespmem:s18], [sflag:$0x2] =	stream.indirect.gather [hbm4b:s2+s15], $0x80, s7, s15, $0xb8;
	[tilespmem:$0x14800] =	vst v63  }
0x77: {  	_ =	swait.ge [sflag:s29], $0x2000  }
0x78: {  	[sflag:s29] =	ssyncset.done $0x0  }
0x79: {  	s7 =	simm.s32 $0x0;
	[sflag:s29] =	ssyncadd.s32 $0xFFFFE000  }
0x7a: {  	v3 =	vld [tilespmem:s7+$0x12800]  }
0x7b: {  	v5 =	vld [tilespmem:s7+$0x12810]  }
0x7c: {  	v4 =	vld [tilespmem:s7+$0x12820]  }
0x7d: {  	v2 =	vld [tilespmem:s7+$0x12830]  }
0x7e: {  	v0 =	vld [tilespmem:s7+$0x12840]  }
0x7f: {  	v1 =	vld [tilespmem:s7+$0x12850];
	v6 =	vmul.f32 $1.131370830e+01, v3  }
0x80: {  	s8 =	simm.s32 $0x200;
	v5 =	vmul.f32 $1.131370830e+01, v5;
	v3 =	vld [tilespmem:s7+$0x12860]  }
.LBB2_9:
0x81: {  	s11 =	sshra.s32 s8, $0x2;
	p0 =	sne.s32 s8, $0x7E00;
	[tilespmem:s7+$0x12800] =	vst v6;
	v4 =	vmul.f32 $1.131370830e+01, v4;
	v6 =	vld [tilespmem:s7+$0x12870]  }
0x82: {  	v7 =	vld [tilespmem:s11+$0x12800];
	[tilespmem:s7+$0x12810] =	vst v5;
	v2 =	vmul.f32 $1.131370830e+01, v2  }
0x83: {  	v5 =	vld [tilespmem:s11+$0x12810];
	[tilespmem:s7+$0x12820] =	vst v4;
	v0 =	vmul.f32 $1.131370830e+01, v0  }
.Ltmp3:
0x84: {  	v4 =	vld [tilespmem:s11+$0x12820];
	[tilespmem:s7+$0x12830] =	vst v2;
	v1 =	vmul.f32 $1.131370830e+01, v1;
	(pc) =	sbr.rel @p0 .LBB2_9-.Ltmp3, $4  }
0x85: {  	v2 =	vld [tilespmem:s11+$0x12830];
	[tilespmem:s7+$0x12840] =	vst v0;
	v3 =	vmul.f32 $1.131370830e+01, v3  }
0x86: {  	v0 =	vld [tilespmem:s11+$0x12840];
	[tilespmem:s7+$0x12850] =	vst v1;
	v8 =	vmul.f32 $1.131370830e+01, v6  }
0x87: {  	v6 =	vmul.f32 $1.131370830e+01, v7;
	v1 =	vld [tilespmem:s11+$0x12850];
	[tilespmem:s7+$0x12860] =	vst v3  }
0x88: {  	s8 =	sadd.s32 $0x200, s8;
	v5 =	vmul.f32 $1.131370830e+01, v5;
	v3 =	vld [tilespmem:s11+$0x12860];
	[tilespmem:s7+$0x12870] =	vst v8;
	s7 =	smov.u32 s11  }
0x89: {  	[tilespmem:s7+$0x12800] =	vst v6;
	v4 =	vmul.f32 $1.131370830e+01, v4;
	v6 =	vld [tilespmem:s7+$0x12870]  }
0x8a: {  	[tilespmem:s7+$0x12810] =	vst v5;
	v2 =	vmul.f32 $1.131370830e+01, v2  }
0x8b: {  	[tilespmem:s7+$0x12820] =	vst v4;
	v0 =	vmul.f32 $1.131370830e+01, v0  }
0x8c: {  	[tilespmem:s7+$0x12830] =	vst v2;
	v1 =	vmul.f32 $1.131370830e+01, v1  }
0x8d: {  	[tilespmem:s7+$0x12840] =	vst v0;
	v0 =	vmul.f32 $1.131370830e+01, v3  }
0x8e: {  	s8 =	sadd.s32 s22, s10;
	[tilespmem:s7+$0x12850] =	vst v1;
	v1 =	vmul.f32 $1.131370830e+01, v6  }
0x8f: {  	s8 =	sshll.u32 s8, $0x4;
	[tilespmem:s7+$0x12860] =	vst v0  }
0x90: {  	s11 =	simm.s32 $0x0;
	s8 =	sadd.s32 s3, s8;
	[tilespmem:s7+$0x12870] =	vst v1  }
0x91: {  	[hbm4b:s8+s11] =	stream.linear.scatter [tilespmem:s23], [sflag:$0x8], $0x2000, $0x38;
	[tilespmem:$0x14800] =	vst v63  }
0x92: {  	_ =	swait.ge [sflag:s30], $0x2000  }
0x93: {  	[sflag:s30] =	ssyncset.done $0x0  }
0x94: {  	s22 =	sadd.s32 $0x100, s17;
	[sflag:s30] =	ssyncadd.s32 $0xFFFFE000  }
0x95: {  	[tilespmem:s20], [sflag:$0x3] =	stream.indirect.gather [hbm4b:s2+s15], $0x80, s22, s15, $0xb8;
	[tilespmem:$0x14800] =	vst v63  }
0x96: {  	_ =	swait.ge [sflag:s21], $0x2000  }
0x97: {  	[sflag:s21] =	ssyncset.done $0x0  }
0x98: {  	s22 =	simm.s32 $0x0;
	[sflag:s21] =	ssyncadd.s32 $0xFFFFE000  }
0x99: {  	v3 =	vld [tilespmem:s22+$0xC800]  }
0x9a: {  	v5 =	vld [tilespmem:s22+$0xC810]  }
0x9b: {  	v4 =	vld [tilespmem:s22+$0xC820]  }
0x9c: {  	v2 =	vld [tilespmem:s22+$0xC830]  }
0x9d: {  	v0 =	vld [tilespmem:s22+$0xC840]  }
0x9e: {  	v1 =	vld [tilespmem:s22+$0xC850];
	v6 =	vmul.f32 $1.131370830e+01, v3  }
0x9f: {  	s7 =	simm.s32 $0x200;
	v5 =	vmul.f32 $1.131370830e+01, v5;
	v3 =	vld [tilespmem:s22+$0xC860]  }
.LBB2_11:
0xa0: {  	s8 =	sshra.s32 s7, $0x2;
	p0 =	sne.s32 s7, $0x7E00;
	[tilespmem:s22+$0xC800] =	vst v6;
	v4 =	vmul.f32 $1.131370830e+01, v4;
	v6 =	vld [tilespmem:s22+$0xC870]  }
0xa1: {  	v7 =	vld [tilespmem:s8+$0xC800];
	[tilespmem:s22+$0xC810] =	vst v5;
	v2 =	vmul.f32 $1.131370830e+01, v2  }
0xa2: {  	v5 =	vld [tilespmem:s8+$0xC810];
	[tilespmem:s22+$0xC820] =	vst v4;
	v0 =	vmul.f32 $1.131370830e+01, v0  }
.Ltmp4:
0xa3: {  	v4 =	vld [tilespmem:s8+$0xC820];
	[tilespmem:s22+$0xC830] =	vst v2;
	v1 =	vmul.f32 $1.131370830e+01, v1;
	(pc) =	sbr.rel @p0 .LBB2_11-.Ltmp4, $4  }
0xa4: {  	v2 =	vld [tilespmem:s8+$0xC830];
	[tilespmem:s22+$0xC840] =	vst v0;
	v3 =	vmul.f32 $1.131370830e+01, v3  }
0xa5: {  	v0 =	vld [tilespmem:s8+$0xC840];
	[tilespmem:s22+$0xC850] =	vst v1;
	v8 =	vmul.f32 $1.131370830e+01, v6  }
0xa6: {  	v6 =	vmul.f32 $1.131370830e+01, v7;
	v1 =	vld [tilespmem:s8+$0xC850];
	[tilespmem:s22+$0xC860] =	vst v3  }
0xa7: {  	s7 =	sadd.s32 $0x200, s7;
	v5 =	vmul.f32 $1.131370830e+01, v5;
	v3 =	vld [tilespmem:s8+$0xC860];
	[tilespmem:s22+$0xC870] =	vst v8;
	s22 =	smov.u32 s8  }
0xa8: {  	[tilespmem:s22+$0xC800] =	vst v6;
	v4 =	vmul.f32 $1.131370830e+01, v4;
	v6 =	vld [tilespmem:s22+$0xC870]  }
0xa9: {  	[tilespmem:s22+$0xC810] =	vst v5;
	v2 =	vmul.f32 $1.131370830e+01, v2  }
0xaa: {  	[tilespmem:s22+$0xC820] =	vst v4;
	v0 =	vmul.f32 $1.131370830e+01, v0  }
0xab: {  	[tilespmem:s22+$0xC830] =	vst v2;
	v1 =	vmul.f32 $1.131370830e+01, v1  }
0xac: {  	s7 =	sshll.u32 s0, $0xF;
	[tilespmem:s22+$0xC840] =	vst v0;
	v0 =	vmul.f32 $1.131370830e+01, v3  }
0xad: {  	s7 =	sadd.s32 s5, s7;
	[tilespmem:s22+$0xC850] =	vst v1;
	v1 =	vmul.f32 $1.131370830e+01, v6  }
0xae: {  	s7 =	sshrl.u32 s7, $0x3;
	[tilespmem:s22+$0xC860] =	vst v0  }
0xaf: {  	s8 =	simm.s32 $0x0;
	s7 =	sadd.s32 s3, s7;
	[tilespmem:s22+$0xC870] =	vst v1  }
0xb0: {  	[hbm4b:s7+s8] =	stream.linear.scatter [tilespmem:s16], [sflag:$0x5], $0x2000, $0x38;
	[tilespmem:$0x14800] =	vst v63  }
0xb1: {  	_ =	swait.ge [sflag:s31], $0x2000  }
0xb2: {  	[sflag:s31] =	ssyncset.done $0x0  }
0xb3: {  	s22 =	sadd.s32 $0x180, s17;
	[sflag:s31] =	ssyncadd.s32 $0xFFFFE000  }
0xb4: {  	[tilespmem:s23], [sflag:$0x4] =	stream.indirect.gather [hbm4b:s2+s15], $0x80, s22, s15, $0xb8;
	[tilespmem:$0x14800] =	vst v63  }
0xb5: {  	_ =	swait.ge [sflag:s24], $0x2000  }
0xb6: {  	[sflag:s24] =	ssyncset.done $0x0  }
0xb7: {  	s17 =	simm.s32 $0x0;
	[sflag:s24] =	ssyncadd.s32 $0xFFFFE000  }
0xb8: {  	v3 =	vld [tilespmem:s17+$0xE800]  }
0xb9: {  	v5 =	vld [tilespmem:s17+$0xE810]  }
0xba: {  	v4 =	vld [tilespmem:s17+$0xE820]  }
0xbb: {  	v2 =	vld [tilespmem:s17+$0xE830]  }
0xbc: {  	v0 =	vld [tilespmem:s17+$0xE840]  }
0xbd: {  	v1 =	vld [tilespmem:s17+$0xE850];
	v6 =	vmul.f32 $1.131370830e+01, v3  }
0xbe: {  	s7 =	simm.s32 $0x200;
	v5 =	vmul.f32 $1.131370830e+01, v5;
	v3 =	vld [tilespmem:s17+$0xE860]  }
.LBB2_13:
0xbf: {  	s8 =	sshra.s32 s7, $0x2;
	p0 =	sne.s32 s7, $0x7E00;
	[tilespmem:s17+$0xE800] =	vst v6;
	v4 =	vmul.f32 $1.131370830e+01, v4;
	v6 =	vld [tilespmem:s17+$0xE870]  }
0xc0: {  	v7 =	vld [tilespmem:s8+$0xE800];
	[tilespmem:s17+$0xE810] =	vst v5;
	v2 =	vmul.f32 $1.131370830e+01, v2  }
0xc1: {  	v5 =	vld [tilespmem:s8+$0xE810];
	[tilespmem:s17+$0xE820] =	vst v4;
	v0 =	vmul.f32 $1.131370830e+01, v0  }
.Ltmp5:
0xc2: {  	v4 =	vld [tilespmem:s8+$0xE820];
	[tilespmem:s17+$0xE830] =	vst v2;
	v1 =	vmul.f32 $1.131370830e+01, v1;
	(pc) =	sbr.rel @p0 .LBB2_13-.Ltmp5, $4  }
0xc3: {  	v2 =	vld [tilespmem:s8+$0xE830];
	[tilespmem:s17+$0xE840] =	vst v0;
	v3 =	vmul.f32 $1.131370830e+01, v3  }
0xc4: {  	v0 =	vld [tilespmem:s8+$0xE840];
	[tilespmem:s17+$0xE850] =	vst v1;
	v8 =	vmul.f32 $1.131370830e+01, v6  }
0xc5: {  	v6 =	vmul.f32 $1.131370830e+01, v7;
	v1 =	vld [tilespmem:s8+$0xE850];
	[tilespmem:s17+$0xE860] =	vst v3  }
0xc6: {  	s7 =	sadd.s32 $0x200, s7;
	v5 =	vmul.f32 $1.131370830e+01, v5;
	v3 =	vld [tilespmem:s8+$0xE860];
	[tilespmem:s17+$0xE870] =	vst v8;
	s17 =	smov.u32 s8  }
0xc7: {  	[tilespmem:s17+$0xE800] =	vst v6;
	v4 =	vmul.f32 $1.131370830e+01, v4;
	v61 =	vld [tilespmem:s17+$0xE870]  }
0xc8: {  	[tilespmem:s17+$0xE810] =	vst v5;
	v2 =	vmul.f32 $1.131370830e+01, v2  }
0xc9: {  	s0 =	sadd.s32 $0x1, s0;
	[tilespmem:s17+$0xE820] =	vst v4;
	v0 =	vmul.f32 $1.131370830e+01, v0  }
0xca: {  	p0 =	sne.s32 s0, $0x64;
	[tilespmem:s17+$0xE830] =	vst v2;
	v1 =	vmul.f32 $1.131370830e+01, v1  }
.Ltmp6:
0xcb: {  	s7 =	sshll.u32 s19, $0xD;
	[tilespmem:s17+$0xE840] =	vst v0;
	v62 =	vmul.f32 $1.131370830e+01, v3;
	(pc) =	sbr.rel @p0 .LBB2_6-.Ltmp6, $4  }
0xcc: {  	s7 =	sadd.s32 s5, s7;
	[tilespmem:s17+$0xE850] =	vst v1;
	v63 =	vmul.f32 $1.131370830e+01, v61  }
0xcd: {  	s7 =	sshrl.u32 s7, $0x3;
	[tilespmem:s17+$0xE860] =	vst v62  }
0xce: {  	s7 =	sadd.s32 s3, s7;
	[tilespmem:s17+$0xE870] =	vst v63  }
0xcf: {  	[hbm4b:s7+s4] =	stream.linear.scatter [tilespmem:s18], [sflag:$0x6], $0x2000, $0x38;
	[tilespmem:$0x14800] =	vst v63  }
0xd0: {  	_ =	swait.ge [sflag:s26], $0x2000  }
0xd1: {  	[sflag:s26] =	ssyncset.done $0x0  }
0xd2: {  	s0 =	simm.s32 $0x0;
	[sflag:s26] =	ssyncadd.s32 $0xFFFFE000  }
0xd3: {  	v3 =	vld [tilespmem:s0+$0x10800]  }
0xd4: {  	v5 =	vld [tilespmem:s0+$0x10810]  }
0xd5: {  	v4 =	vld [tilespmem:s0+$0x10820]  }
0xd6: {  	v2 =	vld [tilespmem:s0+$0x10830]  }
0xd7: {  	v0 =	vld [tilespmem:s0+$0x10840]  }
0xd8: {  	v1 =	vld [tilespmem:s0+$0x10850];
	v6 =	vmul.f32 $1.131370830e+01, v3  }
0xd9: {  	s7 =	simm.s32 $0x200;
	v5 =	vmul.f32 $1.131370830e+01, v5;
	v3 =	vld [tilespmem:s0+$0x10860]  }
.LBB2_16:
0xda: {  	s8 =	sshra.s32 s7, $0x2;
	p0 =	sne.s32 s7, $0x7E00;
	[tilespmem:s0+$0x10800] =	vst v6;
	v4 =	vmul.f32 $1.131370830e+01, v4;
	v6 =	vld [tilespmem:s0+$0x10870]  }
0xdb: {  	v7 =	vld [tilespmem:s8+$0x10800];
	[tilespmem:s0+$0x10810] =	vst v5;
	v2 =	vmul.f32 $1.131370830e+01, v2  }
0xdc: {  	v5 =	vld [tilespmem:s8+$0x10810];
	[tilespmem:s0+$0x10820] =	vst v4;
	v0 =	vmul.f32 $1.131370830e+01, v0  }
.Ltmp7:
0xdd: {  	v4 =	vld [tilespmem:s8+$0x10820];
	[tilespmem:s0+$0x10830] =	vst v2;
	v1 =	vmul.f32 $1.131370830e+01, v1;
	(pc) =	sbr.rel @p0 .LBB2_16-.Ltmp7, $4  }
0xde: {  	v2 =	vld [tilespmem:s8+$0x10830];
	[tilespmem:s0+$0x10840] =	vst v0;
	v3 =	vmul.f32 $1.131370830e+01, v3  }
0xdf: {  	v0 =	vld [tilespmem:s8+$0x10840];
	[tilespmem:s0+$0x10850] =	vst v1;
	v8 =	vmul.f32 $1.131370830e+01, v6  }
0xe0: {  	v6 =	vmul.f32 $1.131370830e+01, v7;
	v1 =	vld [tilespmem:s8+$0x10850];
	[tilespmem:s0+$0x10860] =	vst v3  }
0xe1: {  	s7 =	sadd.s32 $0x200, s7;
	v5 =	vmul.f32 $1.131370830e+01, v5;
	v3 =	vld [tilespmem:s8+$0x10860];
	[tilespmem:s0+$0x10870] =	vst v8;
	s0 =	smov.u32 s8  }
0xe2: {  	[tilespmem:s0+$0x10800] =	vst v6;
	v4 =	vmul.f32 $1.131370830e+01, v4;
	v6 =	vld [tilespmem:s0+$0x10870]  }
0xe3: {  	[tilespmem:s0+$0x10810] =	vst v5;
	v2 =	vmul.f32 $1.131370830e+01, v2  }
0xe4: {  	[tilespmem:s0+$0x10820] =	vst v4;
	v0 =	vmul.f32 $1.131370830e+01, v0  }
0xe5: {  	[tilespmem:s0+$0x10830] =	vst v2;
	v1 =	vmul.f32 $1.131370830e+01, v1  }
0xe6: {  	[tilespmem:s0+$0x10840] =	vst v0;
	v0 =	vmul.f32 $1.131370830e+01, v3  }
0xe7: {  	[tilespmem:s0+$0x10850] =	vst v1;
	v1 =	vmul.f32 $1.131370830e+01, v6  }
0xe8: {  	[tilespmem:s0+$0x10860] =	vst v0  }
0xe9: {  	s22 =	simm.s32 $0x0;
	s7 =	rddreg [dreg:$0x6];
	[tilespmem:s0+$0x10870] =	vst v1  }
0xea: {  	[hbm4b:s7+s22] =	stream.linear.scatter [tilespmem:s20], [sflag:$0x7], $0x2000, $0x38;
	[tilespmem:$0x14800] =	vst v63  }
0xeb: {  	_ =	swait.ge [sflag:s29], $0x2000  }
0xec: {  	[sflag:s29] =	ssyncset.done $0x0  }
0xed: {  	s0 =	simm.s32 $0x0;
	[sflag:s29] =	ssyncadd.s32 $0xFFFFE000  }
0xee: {  	v3 =	vld [tilespmem:s0+$0x12800]  }
0xef: {  	v5 =	vld [tilespmem:s0+$0x12810]  }
0xf0: {  	v4 =	vld [tilespmem:s0+$0x12820]  }
0xf1: {  	v2 =	vld [tilespmem:s0+$0x12830]  }
0xf2: {  	v0 =	vld [tilespmem:s0+$0x12840]  }
0xf3: {  	v1 =	vld [tilespmem:s0+$0x12850];
	v6 =	vmul.f32 $1.131370830e+01, v3  }
0xf4: {  	s7 =	simm.s32 $0x200;
	v5 =	vmul.f32 $1.131370830e+01, v5;
	v3 =	vld [tilespmem:s0+$0x12860]  }
.LBB2_18:
0xf5: {  	s8 =	sshra.s32 s7, $0x2;
	p0 =	sne.s32 s7, $0x7E00;
	[tilespmem:s0+$0x12800] =	vst v6;
	v4 =	vmul.f32 $1.131370830e+01, v4;
	v6 =	vld [tilespmem:s0+$0x12870]  }
0xf6: {  	v7 =	vld [tilespmem:s8+$0x12800];
	[tilespmem:s0+$0x12810] =	vst v5;
	v2 =	vmul.f32 $1.131370830e+01, v2  }
0xf7: {  	v5 =	vld [tilespmem:s8+$0x12810];
	[tilespmem:s0+$0x12820] =	vst v4;
	v0 =	vmul.f32 $1.131370830e+01, v0  }
.Ltmp8:
0xf8: {  	v4 =	vld [tilespmem:s8+$0x12820];
	[tilespmem:s0+$0x12830] =	vst v2;
	v1 =	vmul.f32 $1.131370830e+01, v1;
	(pc) =	sbr.rel @p0 .LBB2_18-.Ltmp8, $4  }
0xf9: {  	v2 =	vld [tilespmem:s8+$0x12830];
	[tilespmem:s0+$0x12840] =	vst v0;
	v3 =	vmul.f32 $1.131370830e+01, v3  }
0xfa: {  	v0 =	vld [tilespmem:s8+$0x12840];
	[tilespmem:s0+$0x12850] =	vst v1;
	v8 =	vmul.f32 $1.131370830e+01, v6  }
0xfb: {  	v6 =	vmul.f32 $1.131370830e+01, v7;
	v1 =	vld [tilespmem:s8+$0x12850];
	[tilespmem:s0+$0x12860] =	vst v3  }
0xfc: {  	s7 =	sadd.s32 $0x200, s7;
	v5 =	vmul.f32 $1.131370830e+01, v5;
	v3 =	vld [tilespmem:s8+$0x12860];
	[tilespmem:s0+$0x12870] =	vst v8;
	s0 =	smov.u32 s8  }
0xfd: {  	[tilespmem:s0+$0x12800] =	vst v6;
	v4 =	vmul.f32 $1.131370830e+01, v4;
	v61 =	vld [tilespmem:s0+$0x12870]  }
0xfe: {  	[tilespmem:s0+$0x12810] =	vst v5;
	v2 =	vmul.f32 $1.131370830e+01, v2  }
0xff: {  	[tilespmem:s0+$0x12820] =	vst v4;
	v0 =	vmul.f32 $1.131370830e+01, v0  }
0x100: {  	[tilespmem:s0+$0x12830] =	vst v2;
	v1 =	vmul.f32 $1.131370830e+01, v1  }
0x101: {  	[tilespmem:s0+$0x12840] =	vst v0;
	v62 =	vmul.f32 $1.131370830e+01, v3  }
0x102: {  	[tilespmem:s0+$0x12850] =	vst v1;
	v63 =	vmul.f32 $1.131370830e+01, v61  }
0x103: {  	[tilespmem:s0+$0x12860] =	vst v62  }
0x104: {  	[tilespmem:s0+$0x12870] =	vst v63  }
0x105: {  	[hbm4b:s12+s4] =	stream.linear.scatter [tilespmem:s23], [sflag:$0x8], $0x2000, $0x38;
	[tilespmem:$0x14800] =	vst v63  }
0x106: {  	_ =	swait.ge [sflag:s25], $0x2000  }
0x107: {  	[sflag:s25] =	ssyncset.done $0x0  }
0x108: {  	[sflag:s25] =	ssyncadd.s32 $0xFFFFE000  }
0x109: {  	_ =	swait.ge [sflag:s28], $0x2000  }
0x10a: {  	[sflag:s28] =	ssyncset.done $0x0  }
0x10b: {  	s1 =	sadd.s32 $0x1, s1;
	[sflag:s28] =	ssyncadd.s32 $0xFFFFE000  }
0x10c: {  	p0 =	sne.s32 s1, s13;
	_ =	swait.ge [sflag:s30], $0x2000  }
.Ltmp9:
0x10d: {  	[sflag:s30] =	ssyncset.done $0x0;
	(pc) =	sbr.rel @p0 .LBB2_1-.Ltmp9, $4  }
0x10e: {  	[sflag:s30] =	ssyncadd.s32 $0xFFFFE000  }
0x10f: {  	_ =	swait.ge [sflag:s31], $0x2000  }
0x110: {  	[sflag:s31] =	ssyncset.done $0x0  }
0x111: {  	[sflag:s31] =	ssyncadd.s32 $0xFFFFE000  }
0x112: {  	_ =	sfence.sel $0x180000  }
0x113: {  	[bflag:$0x0] =	sbarrier.arrive $0xFFFF  }
0x114: {  	_ =	strace $0x90000047  }
0x115: {  	s0 =	stileid.u32;
	[bflag:$0x2] =	sbarrier.arrive $0xFFFF  }
0x116: {  	p0 =	sne.s32 s0, $0x0;
	s0 =	rddreg [dreg:$0x3]  }
0x117: {  	s0 =	sadd.s32 @!p0 $0x100000, s0  }
0x118: {  	[sflag:s0] =	ssyncadd.tile.s32 @!p0 $0x1;
	_ =	shalt  }
.Lfunc_end2:
_tile_overlayer_lowered:
.L_overlay_start_2:
0x119: {  	(tag) =	ssettag $0x2  }
0x11a: {  	s0 =	rddreg [dreg:$0x0];
	s2 =	stileid.u32  }
0x11b: {  	s1 =	rddreg [dreg:$0x1];
	p0 =	sne.s32 s2, $0x0  }
0x11c: {  	s3 =	rddreg [dreg:$0x2];
	[bflag:$0x3] =	sbarrier.arrive $0xFFFF;
	s2 =	simm.s32 @!p0 $0x1C09  }
0x11d: {  	[timem:s3], [sflag:s2] =	dma.local @!p0 [hbm:s0], s1  }
0x11e: {  	s0 =	simm.s32 @!p0 $0x9  }
0x11f: {  	_ =	swait.ge @!p0 [sflag:s0], s1  }
0x120: {  	s1 =	ssub.s32 @!p0 $0x0, s1;
	[sflag:s0] =	ssyncset.done @!p0 $0x0  }
0x121: {  	[sflag:s0] =	ssyncadd.s32 @!p0 s1  }
0x122: {  	[bflag:$0x3] =	sbarrier.arrive $0xFFFF  }
0x123: {  	_ =	shalt  }

</sc_bundles>
